<compile_context>
chip_gen: v7x
topology: tpu7x:2x2x1
jax: 0.10.2.dev20260603
libtpu: 0.0.44.dev20260713+nightly
codegen_flags: <defaults>
</compile_context>

<pallas_src>
import functools

import jax
import jax.numpy as jnp
from jax import lax
from jax.experimental import pallas as pl
from jax.experimental.pallas import tpu as pltpu
from jax.experimental.pallas import tpu_sc as plsc

N = 10000
E = 320000
D = 128
H = 64
K = 100
T = 512
ROI = 200

NC = 2
NS = 16
NW = NC * NS
CH = 80
RPT = 624
RTAIL = N - NS * RPT


def _sliced_copy(copy_one, sid):
    copy_one(sid * RPT, RPT)

    @pl.when(sid == NS - 1)
    def _():
        copy_one(NS * RPT, RTAIL)

_mesh = plsc.VectorSubcoreMesh(core_axis_name="c", subcore_axis_name="s")
_sc_params = pltpu.CompilerParams(needs_layout_passes=False)


@functools.partial(
    pl.kernel,
    mesh=_mesh,
    compiler_params=_sc_params,
    out_type=jax.ShapeDtypeStruct((NC, N, D), jnp.float32),
    scratch_types=[
        pltpu.VMEM_SHARED((N, D), jnp.float32),
        pltpu.VMEM((CH,), jnp.int32),
        pltpu.VMEM((CH, D), jnp.float32),
    ],
)
def _sc_deg(dst_hbm, zeros_hbm, ones_hbm, out_hbm, acc, dst_v, ones_v):
    cid = lax.axis_index("c")
    sid = lax.axis_index("s")

    def zero_one(r0, nr):
        r0 = pl.multiple_of(r0, 8)
        pltpu.sync_copy(zeros_hbm.at[pl.ds(r0, nr)], acc.at[pl.ds(r0, nr)])

    _sliced_copy(zero_one, sid)
    pltpu.sync_copy(ones_hbm, ones_v)
    plsc.subcore_barrier()

    per_worker = E // NW
    base = (cid * NS + sid) * per_worker

    def body(k, carry):
        off = pl.multiple_of(base + k * CH, 8)
        pltpu.sync_copy(dst_hbm.at[pl.ds(off, CH)], dst_v)
        pltpu.sync_copy(ones_v, acc.at[dst_v], add=True)
        return carry

    lax.fori_loop(0, per_worker // CH, body, 0)
    plsc.subcore_barrier()

    def wb_one(r0, nr):
        r0 = pl.multiple_of(r0, 8)
        pltpu.sync_copy(acc.at[pl.ds(r0, nr)], out_hbm.at[cid, pl.ds(r0, nr)])

    _sliced_copy(wb_one, sid)


@functools.partial(
    pl.kernel,
    mesh=_mesh,
    compiler_params=_sc_params,
    out_type=(jax.ShapeDtypeStruct((N, D), jnp.float32),
              jax.ShapeDtypeStruct((N, D), jnp.float32)),
    scratch_types=[
        pltpu.VMEM_SHARED((N, D), jnp.float32),
        pltpu.VMEM((CH,), jnp.int32),
        pltpu.VMEM((CH,), jnp.int32),
        pltpu.VMEM((CH,), jnp.float32),
        pltpu.VMEM((CH, D), jnp.float32),
        pltpu.SemaphoreType.DMA,
    ],
)
def _sc_agg(xn_hbm, hd_hbm, src_hbm, dst_hbm, ew_hbm, zd_hbm,
            outA_hbm, outS_hbm,
            acc, src_v, dst_v, ew_v, rows, sem):
    cid = lax.axis_index("c")
    sid = lax.axis_index("s")

    def zero_one(r0, nr):
        r0 = pl.multiple_of(r0, 8)
        pltpu.sync_copy(zd_hbm.at[pl.ds(r0, nr)], acc.at[pl.ds(r0, nr)])

    _sliced_copy(zero_one, sid)
    plsc.subcore_barrier()

    per_tile = E // NS
    base = sid * per_tile

    def chunk(k, carry):
        off = pl.multiple_of(base + k * CH, 8)
        pltpu.sync_copy(src_hbm.at[pl.ds(off, CH)], src_v)
        pltpu.sync_copy(dst_hbm.at[pl.ds(off, CH)], dst_v)

        @pl.when(cid == 0)
        def _():
            pltpu.sync_copy(ew_hbm.at[pl.ds(off, CH)], ew_v)
            pltpu.async_copy(xn_hbm.at[src_v], rows, sem).wait()

            def scale(e, c):
                w = plsc.load_gather(ew_v, [jnp.full((16,), e, jnp.int32)])
                for j in range(D // 16):
                    rows[e, pl.ds(j * 16, 16)] = rows[e, pl.ds(j * 16, 16)] * w
                return c

            lax.fori_loop(0, CH, scale, 0)

        @pl.when(cid == 1)
        def _():
            pltpu.async_copy(hd_hbm.at[src_v], rows, sem).wait()

        pltpu.sync_copy(rows, acc.at[dst_v], add=True)
        return carry

    lax.fori_loop(0, per_tile // CH, chunk, 0)
    plsc.subcore_barrier()

    def wb_one(r0, nr):
        r0 = pl.multiple_of(r0, 8)

        @pl.when(cid == 0)
        def _():
            pltpu.sync_copy(acc.at[pl.ds(r0, nr)], outA_hbm.at[pl.ds(r0, nr)])

        @pl.when(cid == 1)
        def _():
            pltpu.sync_copy(acc.at[pl.ds(r0, nr)], outS_hbm.at[pl.ds(r0, nr)])

    _sliced_copy(wb_one, sid)


def _tc_prep_body(x_ref, h_ref, degs_ref, xn_ref, hd_ref, dis_ref):
    x = x_ref[...]
    mean = jnp.mean(x, axis=0, keepdims=True)
    var1 = jnp.sum((x - mean) ** 2, axis=0, keepdims=True) / (N - 1)
    xn = (x - mean) / (jnp.sqrt(var1) + 1e-6)
    xn_ref[...] = xn
    deg = degs_ref[0] + degs_ref[1] + 1.0
    dis = lax.rsqrt(deg)
    dis_ref[...] = dis
    hd_ref[:, 0:H] = dis * h_ref[...]
    hd_ref[:, H:D] = jnp.zeros((N, H), jnp.float32)


def _tc_prep(x, hidden, degs):
    return pl.pallas_call(
        _tc_prep_body,
        out_shape=(jax.ShapeDtypeStruct((N, D), jnp.float32),
                   jax.ShapeDtypeStruct((N, D), jnp.float32),
                   jax.ShapeDtypeStruct((N, 1), jnp.float32)),
    )(x, hidden, degs)


def _tc_b1_body(A_ref, xn_ref, S_ref, h_ref, c_ref, dis_ref,
                wrel_ref, wroot_ref, wh_ref, b_ref, v_ref,
                hn_ref, sraw_ref):
    dis = dis_ref[...]
    C = dis * S_ref[:, 0:H] + (dis * dis) * h_ref[...]
    Z = (jnp.dot(A_ref[...], wrel_ref[...], preferred_element_type=jnp.float32)
         + jnp.dot(xn_ref[...], wroot_ref[...], preferred_element_type=jnp.float32)
         + jnp.dot(C, wh_ref[...], preferred_element_type=jnp.float32)
         + b_ref[...])
    ig = jax.nn.sigmoid(Z[:, 0:H])
    fg = jax.nn.sigmoid(Z[:, H:2 * H])
    og = jax.nn.sigmoid(Z[:, 2 * H:3 * H])
    mod = jax.nn.relu(Z[:, 3 * H:4 * H])
    cell = jnp.tanh(ig * mod + fg * c_ref[...])
    hn = og * jnp.tanh(cell)
    hn_ref[...] = hn
    v = v_ref[...]
    vhat = v / (jnp.sqrt(jnp.sum(v * v)) + 1e-8)
    sraw_ref[...] = jnp.dot(hn, vhat, preferred_element_type=jnp.float32)


def _tc_b1(A, xn, S, hidden, cell, dis, Wrel, Wroot, Wh, b, v):
    BR = 2000
    grid = (N // BR,)
    row = lambda i: (i, 0)
    rep = lambda i: (0, 0)
    return pl.pallas_call(
        _tc_b1_body,
        grid=grid,
        in_specs=[
            pl.BlockSpec((BR, D), row), pl.BlockSpec((BR, D), row),
            pl.BlockSpec((BR, D), row), pl.BlockSpec((BR, H), row),
            pl.BlockSpec((BR, H), row), pl.BlockSpec((BR, 1), row),
            pl.BlockSpec((D, 4 * H), rep), pl.BlockSpec((D, 4 * H), rep),
            pl.BlockSpec((H, 4 * H), rep), pl.BlockSpec((1, 4 * H), rep),
            pl.BlockSpec((H, 1), rep),
        ],
        out_specs=[pl.BlockSpec((BR, H), row), pl.BlockSpec((BR, 1), row)],
        out_shape=(jax.ShapeDtypeStruct((N, H), jnp.float32),
                   jax.ShapeDtypeStruct((N, 1), jnp.float32)),
    )(A, xn, S, hidden, cell, dis, Wrel, Wroot, Wh, b, v)


def _tc_lstm_body(ts_ref, wih_t_ref, whh_t_ref, bih_ref, bhh_ref, out_ref,
                  g_ref):
    g_ref[...] = jnp.dot(ts_ref[...], wih_t_ref[...],
                         preferred_element_type=jnp.float32) + bih_ref[...]
    whh_t = whh_t_ref[...]
    bhh = bhh_ref[...]

    def step(t, hc):
        h, c = hc
        g = g_ref[pl.ds(t, 1), :] + jnp.dot(h, whh_t,
                                            preferred_element_type=jnp.float32) + bhh
        i = jax.nn.sigmoid(g[:, 0:H])
        f = jax.nn.sigmoid(g[:, H:2 * H])
        gg = jnp.tanh(g[:, 2 * H:3 * H])
        o = jax.nn.sigmoid(g[:, 3 * H:4 * H])
        c = f * c + i * gg
        h = o * jnp.tanh(c)
        return (h, c)

    h0 = jnp.zeros((1, H), jnp.float32)
    h, _ = lax.fori_loop(0, T, step, (h0, h0))
    out_ref[...] = h


def _tc_lstm(ts, wih_t, whh_t, bih, bhh):
    return pl.pallas_call(
        _tc_lstm_body,
        out_shape=jax.ShapeDtypeStruct((1, H), jnp.float32),
        scratch_shapes=[pltpu.VMEM((T, 4 * H), jnp.float32)],
    )(ts, wih_t, whh_t, bih, bhh)


def _tc_b2_body(hn_ref, sraw_ref, low_ref, lng_ref, lnb_ref,
                w1_ref, b1_ref, w2_ref, b2_ref,
                scores_ref, pool_ref, pred_ref):
    s = sraw_ref[...]
    mu = jnp.mean(s)
    sd = jnp.sqrt(jnp.mean((s - mu) ** 2))
    scores = (s - mu) / (sd + 1e-8)
    scores_ref[...] = scores
    sig = jax.nn.sigmoid(scores)
    pool_ref[...] = jnp.mean(sig * (1.0 - sig)).reshape(1, 1)

    bits = lax.bitcast_convert_type(scores, jnp.uint32)
    neg = (bits & jnp.uint32(0x80000000)) != 0
    y = jnp.where(neg, ~bits, bits | jnp.uint32(0x80000000))

    def tbody(i, t):
        cand = t | (jnp.uint32(1) << jnp.uint32(31 - i))
        cnt = jnp.sum((y >= cand).astype(jnp.float32))
        return jnp.where(cnt >= K, cand, t)

    t = lax.fori_loop(0, 32, tbody, jnp.uint32(0))
    n_gt = jnp.sum((y > t).astype(jnp.float32))
    r = jnp.float32(K) - n_gt
    idx = lax.broadcasted_iota(jnp.int32, (N, 1), 0)
    ties = y == t

    def jbody(i, jj):
        cand = jj | (1 << (13 - i))
        c2 = jnp.sum((ties & (idx < cand)).astype(jnp.float32))
        return jnp.where(c2 < r, cand, jj)

    jj = lax.fori_loop(0, 14, jbody, jnp.int32(0))
    sel = (y > t) | (ties & (idx <= jj) & (r > 0))
    m = sel.astype(jnp.float32)
    high = jnp.sum(m * (hn_ref[...] * sig), axis=0, keepdims=True) / K

    fusion = jnp.concatenate([high, low_ref[...]], axis=1)
    fmu = jnp.mean(fusion)
    fvar = jnp.mean((fusion - fmu) ** 2)
    fusion = (fusion - fmu) / jnp.sqrt(fvar + 1e-5) * lng_ref[...] + lnb_ref[...]
    h1 = jax.nn.relu(jnp.dot(fusion, w1_ref[...],
                             preferred_element_type=jnp.float32) + b1_ref[...])
    pred_ref[...] = jnp.dot(h1, w2_ref[...],
                            preferred_element_type=jnp.float32) + b2_ref[...]


def _tc_b2(hn, sraw, low, lng, lnb, w1, b1, w2, b2):
    return pl.pallas_call(
        _tc_b2_body,
        out_shape=(jax.ShapeDtypeStruct((N, 1), jnp.float32),
                   jax.ShapeDtypeStruct((1, 1), jnp.float32),
                   jax.ShapeDtypeStruct((1, 1), jnp.float32)),
    )(hn, sraw, low, lng, lnb, w1, b1, w2, b2)


def kernel(x, edge_index, edge_attr, hidden_state, cell_state, time_series,
           params):
    p = params
    src = edge_index[0]
    dst = edge_index[1]

    zeros_nd = jnp.zeros((N, D), jnp.float32)
    degs = _sc_deg(dst, zeros_nd, jnp.ones((CH, D), jnp.float32))
    xn, hd, dis = _tc_prep(x, hidden_state, degs[:, :, 0:1])
    A, S = _sc_agg(xn, hd, src, dst, edge_attr, zeros_nd)

    low = _tc_lstm(time_series, p['Wih'].T, p['Whh'].T,
                   p['bih'].reshape(1, 4 * H), p['bhh'].reshape(1, 4 * H))

    names = ['input', 'forget', 'output', 'modulation']
    Wrel = jnp.concatenate([p[n + '_Wrel'] for n in names], axis=1)
    Wroot = jnp.concatenate([p[n + '_Wroot'] for n in names], axis=1)
    Wh = jnp.concatenate([p[n + '_Wh'] for n in names], axis=1)
    b = jnp.concatenate([p[n + '_brel'] + p[n + '_bh'] for n in names]
                        ).reshape(1, 4 * H)

    hn, sraw = _tc_b1(A, xn, S, hidden_state, cell_state, dis,
                      Wrel, Wroot, Wh, b, p['pool_v'])
    scores, pool, pred = _tc_b2(hn, sraw, low,
                                p['ln_g'].reshape(1, 2 * H),
                                p['ln_b'].reshape(1, 2 * H),
                                p['W1'], p['b1'].reshape(1, H),
                                p['W2'], p['b2'].reshape(1, 1))
    return pred.reshape(1), scores, pool.reshape(())

# --- scband reference (transcript-rebuilt; emitter-appended) ---
"""Pipeline reference for scband-gnn-lstm-8160437863163 (READ-ONLY COPY).

The authoritative reference and input builder live on the scoring server;
editing this copy changes nothing except your own understanding.
"""

import jax, jax.numpy as jnp
import numpy as np

N = 10000
E = 320000
D = 128
H = 64
POOL_RATIO = 0.01
K = max(1, int(N * POOL_RATIO))
T = 512
ROI = 200


def _graph_conv(x, src, dst, ew, W_rel, b_rel, W_root):
    # PyG GraphConv (aggr='add'): lin_rel(sum_j ew_ij * x_j) + lin_root(x)
    msg = x[src] * ew[:, None]
    aggr = jax.ops.segment_sum(msg, dst, num_segments=N)
    return aggr @ W_rel + b_rel + x @ W_root


def _gcn_conv(x, src, dst, W, b):
    # PyG GCNConv with self-loops and symmetric normalization, all edge weights = 1
    loop = jnp.arange(N)
    s = jnp.concatenate([src, loop])
    d = jnp.concatenate([dst, loop])
    w = jnp.ones(s.shape[0], dtype=x.dtype)
    deg = jax.ops.segment_sum(w, d, num_segments=N)
    dis = jnp.where(deg > 0, deg ** -0.5, 0.0)
    norm = dis[s] * dis[d]
    xw = x @ W
    out = jax.ops.segment_sum(norm[:, None] * xw[s], d, num_segments=N)
    return out + b


def _lstm(ts, Wih, Whh, bih, bhh):
    # single-layer unbatched LSTM, PyTorch gate order (i, f, g, o)
    def step(carry, xt):
        h, c = carry
        g = Wih @ xt + bih + Whh @ h + bhh
        i, f, gg, o = jnp.split(g, 4)
        i = jax.nn.sigmoid(i)
        f = jax.nn.sigmoid(f)
        gg = jnp.tanh(gg)
        o = jax.nn.sigmoid(o)
        c = f * c + i * gg
        h = o * jnp.tanh(c)
        return (h, c), None
    h0 = jnp.zeros((H,), ts.dtype)
    c0 = jnp.zeros((H,), ts.dtype)
    (h, c), _ = jax.lax.scan(step, (h0, c0), ts)
    return h


def setup_inputs(seed: int = 0):
    key = jax.random.key(seed)
    ks = jax.random.split(key, 32)
    params = {}
    names = ['input', 'forget', 'output', 'modulation']
    for i, n in enumerate(names):
        params[n + '_Wrel'] = 0.05 * jax.random.normal(ks[i], (D, H), jnp.float32)
        params[n + '_brel'] = jnp.zeros((H,), jnp.float32)
        params[n + '_Wroot'] = 0.05 * jax.random.normal(ks[4 + i], (D, H), jnp.float32)
        params[n + '_Wh'] = 0.05 * jax.random.normal(ks[8 + i], (H, H), jnp.float32)
        params[n + '_bh'] = jnp.zeros((H,), jnp.float32)
    params['pool_v'] = jax.random.normal(ks[12], (H, 1), jnp.float32)
    params['ln_g'] = jnp.ones((2 * H,), jnp.float32)
    params['ln_b'] = jnp.zeros((2 * H,), jnp.float32)
    params['Wih'] = 0.05 * jax.random.normal(ks[13], (4 * H, ROI), jnp.float32)
    params['Whh'] = 0.05 * jax.random.normal(ks[14], (4 * H, H), jnp.float32)
    params['bih'] = jnp.zeros((4 * H,), jnp.float32)
    params['bhh'] = jnp.zeros((4 * H,), jnp.float32)
    params['W1'] = 0.05 * jax.random.normal(ks[15], (2 * H, H), jnp.float32)
    params['b1'] = jnp.zeros((H,), jnp.float32)
    params['W2'] = 0.05 * jax.random.normal(ks[16], (H, 1), jnp.float32)
    params['b2'] = jnp.zeros((1,), jnp.float32)
    return {
        'x': jax.random.normal(ks[17], (N, D), jnp.float32),
        'edge_index': jax.random.randint(ks[18], (2, E), 0, N),
        'edge_attr': jax.random.uniform(ks[19], (E,), jnp.float32),
        'hidden_state': 0.05 * jax.random.normal(ks[20], (N, H), jnp.float32),
        'cell_state': 0.05 * jax.random.normal(ks[21], (N, H), jnp.float32),
        'time_series': jax.random.normal(ks[22], (T, ROI), jnp.float32),
        'params': params,
    }


def reference(x, edge_index, edge_attr, hidden_state, cell_state, time_series, params):
    p = params
    src, dst = edge_index[0], edge_index[1]
    # per-feature standardization (torch std dim=0 is unbiased -> ddof=1)
    xn = (x - x.mean(axis=0, keepdims=True)) / (x.std(axis=0, ddof=1, keepdims=True) + 1e-6)
    ig = jax.nn.sigmoid(_graph_conv(xn, src, dst, edge_attr, p['input_Wrel'], p['input_brel'], p['input_Wroot']) + _gcn_conv(hidden_state, src, dst, p['input_Wh'], p['input_bh']))
    fg = jax.nn.sigmoid(_graph_conv(xn, src, dst, edge_attr, p['forget_Wrel'], p['forget_brel'], p['forget_Wroot']) + _gcn_conv(hidden_state, src, dst, p['forget_Wh'], p['forget_bh']))
    og = jax.nn.sigmoid(_graph_conv(xn, src, dst, edge_attr, p['output_Wrel'], p['output_brel'], p['output_Wroot']) + _gcn_conv(hidden_state, src, dst, p['output_Wh'], p['output_bh']))
    mod = jax.nn.relu(_graph_conv(xn, src, dst, edge_attr, p['modulation_Wrel'], p['modulation_brel'], p['modulation_Wroot']) + _gcn_conv(hidden_state, src, dst, p['modulation_Wh'], p['modulation_bh']))
    cell = jnp.tanh(ig * mod + fg * cell_state)
    hidden = og * jnp.tanh(cell)
    # DGPool
    v = p['pool_v']
    scores = hidden @ (v / (jnp.linalg.norm(v) + 1e-8))
    scores = (scores - scores.mean()) / (scores.std() + 1e-8)  # unbiased=False -> ddof=0
    sig = jax.nn.sigmoid(scores)
    x_scaled = hidden * sig
    _, idx = jax.lax.top_k(sig[:, 0], K)
    new_x = x_scaled[idx]
    ii, jj = np.meshgrid(np.arange(K), np.arange(K), indexing='ij')
    m = ii != jj
    new_edge_index = jnp.asarray(np.stack([ii[m], jj[m]]))  # computed but unused downstream, as in torch
    pool_loss = (sig * (1 - sig)).mean()
    high = new_x.mean(axis=0)
    low = _lstm(time_series, p['Wih'], p['Whh'], p['bih'], p['bhh'])
    fusion = jnp.concatenate([high, low], axis=0)
    mu = fusion.mean()
    var = fusion.var()
    fusion = (fusion - mu) / jnp.sqrt(var + 1e-5) * p['ln_g'] + p['ln_b']
    h1 = jax.nn.relu(fusion @ p['W1'] + p['b1'])  # dropout is identity in eval
    pred = h1 @ p['W2'] + p['b2']
    return pred, scores, pool_loss

if __name__ == "__main__":
    import jax
    _d = setup_inputs()
    print(jax.jit(kernel)(*tuple(_d.values())))

</pallas_src>

<mosaic_0001>
#map = affine_map<(d0, d1) -> (0, 0)>
#map1 = affine_map<(d0, d1) -> (0)>
module attributes {stable_mosaic.version = 14 : i64} {
  func.func @_sc_agg(%arg0: i32, %arg1: i32, %arg2: memref<10000x128xf32, #tpu.memory_space<hbm>>, %arg3: memref<10000x128xf32, #tpu.memory_space<hbm>>, %arg4: memref<320000xi32, #tpu.memory_space<hbm>>, %arg5: memref<320000xi32, #tpu.memory_space<hbm>>, %arg6: memref<320000xf32, #tpu.memory_space<hbm>>, %arg7: memref<10000x128xf32, #tpu.memory_space<hbm>>, %arg8: memref<10000x128xf32, #tpu.memory_space<hbm>>, %arg9: memref<10000x128xf32, #tpu.memory_space<hbm>>, %arg10: memref<10000x128xf32, #tpu.memory_space<vmem_shared>>, %arg11: memref<80xi32, #tpu.memory_space<vmem>>, %arg12: memref<80xi32, #tpu.memory_space<vmem>>, %arg13: memref<80xf32, #tpu.memory_space<vmem>>, %arg14: memref<80x128xf32, #tpu.memory_space<vmem>>, %arg15: memref<!tpu.dma_semaphore, #tpu.memory_space<semaphore_mem>>) attributes {dimension_semantics = [#tpu.dimension_semantics<core_parallel>, #tpu.dimension_semantics<subcore_parallel>], iteration_bounds = array<i64: 2, 16>, scalar_prefetch = 0 : i64, scratch_operands = 6 : i64, tpu.core_type = #tpu.core_type<sc_vector_subcore>, window_params = [{transform_indices = #map}, {transform_indices = #map}, {transform_indices = #map1}, {transform_indices = #map1}, {transform_indices = #map1}, {transform_indices = #map}, {transform_indices = #map}, {transform_indices = #map}]} {
    %mul3A = arith.constant 624 : i32
    %mul3A_0 = arith.muli %arg1, %mul3A : i32
    %multiple_of3A = tpu.assume_multiple %mul3A_0, 8 : i32
    "tpu.region"() ({
      %run_scoped3A = tpu.sem_alloc : memref<!tpu.dma_semaphore, #tpu.memory_space<semaphore_mem>>
      %dma_start3A = arith.constant 0 : i32
      %dma_start3A_29 = tpu.memref_slice %arg10[%multiple_of3A, %dma_start3A] : memref<10000x128xf32, #tpu.memory_space<vmem_shared>> -> memref<624x128xf32, #tpu.memory_space<vmem_shared>>
      %dma_start3A_30 = arith.constant 0 : i32
      %dma_start3A_31 = tpu.memref_slice %arg7[%multiple_of3A, %dma_start3A_30] : memref<10000x128xf32, #tpu.memory_space<hbm>> -> memref<624x128xf32, #tpu.memory_space<hbm>>
      tpu.enqueue_dma source(%dma_start3A_31 : memref<624x128xf32, #tpu.memory_space<hbm>>) target(%dma_start3A_29 : memref<624x128xf32, #tpu.memory_space<vmem_shared>>) target_semaphore(%run_scoped3A : memref<!tpu.dma_semaphore, #tpu.memory_space<semaphore_mem>>)
      %dma_wait3A = arith.constant 0 : i32
      %dma_wait3A_32 = tpu.memref_slice %arg10[%multiple_of3A, %dma_wait3A] : memref<10000x128xf32, #tpu.memory_space<vmem_shared>> -> memref<624x128xf32, #tpu.memory_space<vmem_shared>>
      %dma_wait3A_33 = arith.constant 0 : i32
      %dma_wait3A_34 = tpu.memref_slice %arg7[%multiple_of3A, %dma_wait3A_33] : memref<10000x128xf32, #tpu.memory_space<hbm>> -> memref<624x128xf32, #tpu.memory_space<hbm>>
      tpu.wait_dma2 semaphore(%run_scoped3A : memref<!tpu.dma_semaphore, #tpu.memory_space<semaphore_mem>>) src(%dma_wait3A_34 : memref<624x128xf32, #tpu.memory_space<hbm>>) dst(%dma_wait3A_32 : memref<624x128xf32, #tpu.memory_space<vmem_shared>>)
      tpu.yield
    }) : () -> ()
    %eq3A = arith.constant 15 : i32
    %eq3A_1 = arith.cmpi eq, %arg1, %eq3A : i32
    %convert_element_type3A = arith.extui %eq3A_1 : i1 to i32
    %cond3A = arith.constant 0 : i32
    %cond3A_2 = arith.cmpi ne, %convert_element_type3A, %cond3A : i32
    scf.if %cond3A_2 {
      %multiple_of3A_29 = arith.constant 9984 : i32
      %multiple_of3A_30 = tpu.assume_multiple %multiple_of3A_29, 8 : i32
      "tpu.region"() ({
        %run_scoped3A = tpu.sem_alloc : memref<!tpu.dma_semaphore, #tpu.memory_space<semaphore_mem>>
        %dma_start3A = arith.constant 0 : i32
        %dma_start3A_31 = tpu.memref_slice %arg10[%multiple_of3A_30, %dma_start3A] : memref<10000x128xf32, #tpu.memory_space<vmem_shared>> -> memref<16x128xf32, #tpu.memory_space<vmem_shared>>
        %dma_start3A_32 = arith.constant 0 : i32
        %dma_start3A_33 = tpu.memref_slice %arg7[%multiple_of3A_30, %dma_start3A_32] : memref<10000x128xf32, #tpu.memory_space<hbm>> -> memref<16x128xf32, #tpu.memory_space<hbm>>
        tpu.enqueue_dma source(%dma_start3A_33 : memref<16x128xf32, #tpu.memory_space<hbm>>) target(%dma_start3A_31 : memref<16x128xf32, #tpu.memory_space<vmem_shared>>) target_semaphore(%run_scoped3A : memref<!tpu.dma_semaphore, #tpu.memory_space<semaphore_mem>>)
        %dma_wait3A = arith.constant 0 : i32
        %dma_wait3A_34 = tpu.memref_slice %arg10[%multiple_of3A_30, %dma_wait3A] : memref<10000x128xf32, #tpu.memory_space<vmem_shared>> -> memref<16x128xf32, #tpu.memory_space<vmem_shared>>
        %dma_wait3A_35 = arith.constant 0 : i32
        %dma_wait3A_36 = tpu.memref_slice %arg7[%multiple_of3A_30, %dma_wait3A_35] : memref<10000x128xf32, #tpu.memory_space<hbm>> -> memref<16x128xf32, #tpu.memory_space<hbm>>
        tpu.wait_dma2 semaphore(%run_scoped3A : memref<!tpu.dma_semaphore, #tpu.memory_space<semaphore_mem>>) src(%dma_wait3A_36 : memref<16x128xf32, #tpu.memory_space<hbm>>) dst(%dma_wait3A_34 : memref<16x128xf32, #tpu.memory_space<vmem_shared>>)
        tpu.yield
      }) : () -> ()
    } else {
    }
    %barrier3A = arith.constant 0 : index
    tpu.barrier barrier_id(%barrier3A)
    %mul3A_3 = arith.constant 20000 : i32
    %mul3A_4 = arith.muli %arg1, %mul3A_3 : i32
    %scan3A = arith.constant 0 : i32
    %scan3A_5 = arith.constant 0 : i32
    %scan3A_6 = arith.constant 250 : i32
    %scan3A_7 = arith.addi %scan3A_5, %scan3A_6 : i32
    %scan3A_8 = arith.constant 1 : i32
    scf.for %scan3A_29 = %scan3A_5 to %scan3A_7 step %scan3A_8  : i32 {
      %mul3A_30 = arith.constant 80 : i32
      %mul3A_31 = arith.muli %scan3A_29, %mul3A_30 : i32
      %add3A = arith.addi %mul3A_4, %mul3A_31 : i32
      %multiple_of3A_32 = tpu.assume_multiple %add3A, 8 : i32
      "tpu.region"() ({
        %run_scoped3A = tpu.sem_alloc : memref<!tpu.dma_semaphore, #tpu.memory_space<semaphore_mem>>
        %dma_start3A = tpu.memref_slice %arg4[%multiple_of3A_32] : memref<320000xi32, #tpu.memory_space<hbm>> -> memref<80xi32, #tpu.memory_space<hbm>>
        %dma_start3A_43 = tpu.memref_slice %arg4[%multiple_of3A_32] : memref<320000xi32, #tpu.memory_space<hbm>> -> memref<80xi32, #tpu.memory_space<hbm>>
        tpu.enqueue_dma source(%dma_start3A_43 : memref<80xi32, #tpu.memory_space<hbm>>) target(%arg11 : memref<80xi32, #tpu.memory_space<vmem>>) target_semaphore(%run_scoped3A : memref<!tpu.dma_semaphore, #tpu.memory_space<semaphore_mem>>)
        %dma_wait3A = tpu.memref_slice %arg4[%multiple_of3A_32] : memref<320000xi32, #tpu.memory_space<hbm>> -> memref<80xi32, #tpu.memory_space<hbm>>
        %dma_wait3A_44 = tpu.memref_slice %arg4[%multiple_of3A_32] : memref<320000xi32, #tpu.memory_space<hbm>> -> memref<80xi32, #tpu.memory_space<hbm>>
        tpu.wait_dma2 semaphore(%run_scoped3A : memref<!tpu.dma_semaphore, #tpu.memory_space<semaphore_mem>>) src(%dma_wait3A_44 : memref<80xi32, #tpu.memory_space<hbm>>) dst(%arg11 : memref<80xi32, #tpu.memory_space<vmem>>)
        tpu.yield
      }) : () -> ()
      "tpu.region"() ({
        %run_scoped3A = tpu.sem_alloc : memref<!tpu.dma_semaphore, #tpu.memory_space<semaphore_mem>>
        %dma_start3A = tpu.memref_slice %arg5[%multiple_of3A_32] : memref<320000xi32, #tpu.memory_space<hbm>> -> memref<80xi32, #tpu.memory_space<hbm>>
        %dma_start3A_43 = tpu.memref_slice %arg5[%multiple_of3A_32] : memref<320000xi32, #tpu.memory_space<hbm>> -> memref<80xi32, #tpu.memory_space<hbm>>
        tpu.enqueue_dma source(%dma_start3A_43 : memref<80xi32, #tpu.memory_space<hbm>>) target(%arg12 : memref<80xi32, #tpu.memory_space<vmem>>) target_semaphore(%run_scoped3A : memref<!tpu.dma_semaphore, #tpu.memory_space<semaphore_mem>>)
        %dma_wait3A = tpu.memref_slice %arg5[%multiple_of3A_32] : memref<320000xi32, #tpu.memory_space<hbm>> -> memref<80xi32, #tpu.memory_space<hbm>>
        %dma_wait3A_44 = tpu.memref_slice %arg5[%multiple_of3A_32] : memref<320000xi32, #tpu.memory_space<hbm>> -> memref<80xi32, #tpu.memory_space<hbm>>
        tpu.wait_dma2 semaphore(%run_scoped3A : memref<!tpu.dma_semaphore, #tpu.memory_space<semaphore_mem>>) src(%dma_wait3A_44 : memref<80xi32, #tpu.memory_space<hbm>>) dst(%arg12 : memref<80xi32, #tpu.memory_space<vmem>>)
        tpu.yield
      }) : () -> ()
      %eq3A_33 = arith.constant 0 : i32
      %eq3A_34 = arith.cmpi eq, %arg0, %eq3A_33 : i32
      %convert_element_type3A_35 = arith.extui %eq3A_34 : i1 to i32
      %cond3A_36 = arith.constant 0 : i32
      %cond3A_37 = arith.cmpi ne, %convert_element_type3A_35, %cond3A_36 : i32
      scf.if %cond3A_37 {
        "tpu.region"() ({
          %run_scoped3A = tpu.sem_alloc : memref<!tpu.dma_semaphore, #tpu.memory_space<semaphore_mem>>
          %dma_start3A_53 = tpu.memref_slice %arg6[%multiple_of3A_32] : memref<320000xf32, #tpu.memory_space<hbm>> -> memref<80xf32, #tpu.memory_space<hbm>>
          %dma_start3A_54 = tpu.memref_slice %arg6[%multiple_of3A_32] : memref<320000xf32, #tpu.memory_space<hbm>> -> memref<80xf32, #tpu.memory_space<hbm>>
          tpu.enqueue_dma source(%dma_start3A_54 : memref<80xf32, #tpu.memory_space<hbm>>) target(%arg13 : memref<80xf32, #tpu.memory_space<vmem>>) target_semaphore(%run_scoped3A : memref<!tpu.dma_semaphore, #tpu.memory_space<semaphore_mem>>)
          %dma_wait3A_55 = tpu.memref_slice %arg6[%multiple_of3A_32] : memref<320000xf32, #tpu.memory_space<hbm>> -> memref<80xf32, #tpu.memory_space<hbm>>
          %dma_wait3A_56 = tpu.memref_slice %arg6[%multiple_of3A_32] : memref<320000xf32, #tpu.memory_space<hbm>> -> memref<80xf32, #tpu.memory_space<hbm>>
          tpu.wait_dma2 semaphore(%run_scoped3A : memref<!tpu.dma_semaphore, #tpu.memory_space<semaphore_mem>>) src(%dma_wait3A_56 : memref<80xf32, #tpu.memory_space<hbm>>) dst(%arg13 : memref<80xf32, #tpu.memory_space<vmem>>)
          tpu.yield
        }) : () -> ()
        %dma_start3A = arith.constant 0 : i32
        %dma_start3A_43 = arith.constant 0 : i32
        %dma_start3A_44 = tpu.memref_slice %arg2[%dma_start3A, %dma_start3A_43] : memref<10000x128xf32, #tpu.memory_space<hbm>> -> memref<10000x128xf32, #tpu.memory_space<hbm>>
        tpu.enqueue_indirect_dma source(%dma_start3A_44 : memref<10000x128xf32, #tpu.memory_space<hbm>>) target(%arg14 : memref<80x128xf32, #tpu.memory_space<vmem>>) offsets(%arg11 : memref<80xi32, #tpu.memory_space<vmem>>) semaphore(%arg15 : memref<!tpu.dma_semaphore, #tpu.memory_space<semaphore_mem>>)
        %dma_wait3A = arith.constant 0 : i32
        %dma_wait3A_45 = arith.constant 0 : i32
        %dma_wait3A_46 = tpu.memref_slice %arg2[%dma_wait3A, %dma_wait3A_45] : memref<10000x128xf32, #tpu.memory_space<hbm>> -> memref<10000x128xf32, #tpu.memory_space<hbm>>
        tpu.wait_indirect_dma semaphore(%arg15 : memref<!tpu.dma_semaphore, #tpu.memory_space<semaphore_mem>>) src(%dma_wait3A_46 : memref<10000x128xf32, #tpu.memory_space<hbm>>) dst(%arg14 : memref<80x128xf32, #tpu.memory_space<vmem>>)
        %scan3A_47 = arith.constant 0 : i32
        %scan3A_48 = arith.constant 0 : i32
        %scan3A_49 = arith.constant 80 : i32
        %scan3A_50 = arith.addi %scan3A_48, %scan3A_49 : i32
        %scan3A_51 = arith.constant 1 : i32
        scf.for %scan3A_53 = %scan3A_48 to %scan3A_50 step %scan3A_51  : i32 {
          %broadcast_in_dim3A = vector.broadcast %scan3A_53 : i32 to vector<16xi32>
          %gather3A = tpu.vector_load_idx %arg13[%broadcast_in_dim3A] : memref<80xf32, #tpu.memory_space<vmem>>[vector<16xi32>], vector<16xf32>,
          %get3A = arith.index_cast %scan3A_53 : i32 to index
          %get3A_54 = arith.constant 0 : index
          %get3A_55 = tpu.vector_load %arg14[%get3A, %get3A_54] {strides = array<i32>} : memref<80x128xf32, #tpu.memory_space<vmem>>, vector<16xf32>,
          %mul3A_56 = arith.mulf %get3A_55, %gather3A : vector<16xf32>
          %swap3A = arith.index_cast %scan3A_53 : i32 to index
          %swap3A_57 = arith.constant 0 : index
          %swap3A_58 = tpu.vector_load %arg14[%swap3A, %swap3A_57] {strides = array<i32>} : memref<80x128xf32, #tpu.memory_space<vmem>>, vector<16xf32>,
          tpu.vector_store %arg14[%swap3A, %swap3A_57], %mul3A_56 {strides = array<i32>} : memref<80x128xf32, #tpu.memory_space<vmem>>, vector<16xf32>,
          %get3A_59 = arith.index_cast %scan3A_53 : i32 to index
          %get3A_60 = arith.constant 16 : index
          %get3A_61 = tpu.vector_load %arg14[%get3A_59, %get3A_60] {strides = array<i32>} : memref<80x128xf32, #tpu.memory_space<vmem>>, vector<16xf32>,
          %mul3A_62 = arith.mulf %get3A_61, %gather3A : vector<16xf32>
          %swap3A_63 = arith.index_cast %scan3A_53 : i32 to index
          %swap3A_64 = arith.constant 16 : index
          %swap3A_65 = tpu.vector_load %arg14[%swap3A_63, %swap3A_64] {strides = array<i32>} : memref<80x128xf32, #tpu.memory_space<vmem>>, vector<16xf32>,
          tpu.vector_store %arg14[%swap3A_63, %swap3A_64], %mul3A_62 {strides = array<i32>} : memref<80x128xf32, #tpu.memory_space<vmem>>, vector<16xf32>,
          %get3A_66 = arith.index_cast %scan3A_53 : i32 to index
          %get3A_67 = arith.constant 32 : index
          %get3A_68 = tpu.vector_load %arg14[%get3A_66, %get3A_67] {strides = array<i32>} : memref<80x128xf32, #tpu.memory_space<vmem>>, vector<16xf32>,
          %mul3A_69 = arith.mulf %get3A_68, %gather3A : vector<16xf32>
          %swap3A_70 = arith.index_cast %scan3A_53 : i32 to index
          %swap3A_71 = arith.constant 32 : index
          %swap3A_72 = tpu.vector_load %arg14[%swap3A_70, %swap3A_71] {strides = array<i32>} : memref<80x128xf32, #tpu.memory_space<vmem>>, vector<16xf32>,
          tpu.vector_store %arg14[%swap3A_70, %swap3A_71], %mul3A_69 {strides = array<i32>} : memref<80x128xf32, #tpu.memory_space<vmem>>, vector<16xf32>,
          %get3A_73 = arith.index_cast %scan3A_53 : i32 to index
          %get3A_74 = arith.constant 48 : index
          %get3A_75 = tpu.vector_load %arg14[%get3A_73, %get3A_74] {strides = array<i32>} : memref<80x128xf32, #tpu.memory_space<vmem>>, vector<16xf32>,
          %mul3A_76 = arith.mulf %get3A_75, %gather3A : vector<16xf32>
          %swap3A_77 = arith.index_cast %scan3A_53 : i32 to index
          %swap3A_78 = arith.constant 48 : index
          %swap3A_79 = tpu.vector_load %arg14[%swap3A_77, %swap3A_78] {strides = array<i32>} : memref<80x128xf32, #tpu.memory_space<vmem>>, vector<16xf32>,
          tpu.vector_store %arg14[%swap3A_77, %swap3A_78], %mul3A_76 {strides = array<i32>} : memref<80x128xf32, #tpu.memory_space<vmem>>, vector<16xf32>,
          %get3A_80 = arith.index_cast %scan3A_53 : i32 to index
          %get3A_81 = arith.constant 64 : index
          %get3A_82 = tpu.vector_load %arg14[%get3A_80, %get3A_81] {strides = array<i32>} : memref<80x128xf32, #tpu.memory_space<vmem>>, vector<16xf32>,
          %mul3A_83 = arith.mulf %get3A_82, %gather3A : vector<16xf32>
          %swap3A_84 = arith.index_cast %scan3A_53 : i32 to index
          %swap3A_85 = arith.constant 64 : index
          %swap3A_86 = tpu.vector_load %arg14[%swap3A_84, %swap3A_85] {strides = array<i32>} : memref<80x128xf32, #tpu.memory_space<vmem>>, vector<16xf32>,
          tpu.vector_store %arg14[%swap3A_84, %swap3A_85], %mul3A_83 {strides = array<i32>} : memref<80x128xf32, #tpu.memory_space<vmem>>, vector<16xf32>,
          %get3A_87 = arith.index_cast %scan3A_53 : i32 to index
          %get3A_88 = arith.constant 80 : index
          %get3A_89 = tpu.vector_load %arg14[%get3A_87, %get3A_88] {strides = array<i32>} : memref<80x128xf32, #tpu.memory_space<vmem>>, vector<16xf32>,
          %mul3A_90 = arith.mulf %get3A_89, %gather3A : vector<16xf32>
          %swap3A_91 = arith.index_cast %scan3A_53 : i32 to index
          %swap3A_92 = arith.constant 80 : index
          %swap3A_93 = tpu.vector_load %arg14[%swap3A_91, %swap3A_92] {strides = array<i32>} : memref<80x128xf32, #tpu.memory_space<vmem>>, vector<16xf32>,
          tpu.vector_store %arg14[%swap3A_91, %swap3A_92], %mul3A_90 {strides = array<i32>} : memref<80x128xf32, #tpu.memory_space<vmem>>, vector<16xf32>,
          %get3A_94 = arith.index_cast %scan3A_53 : i32 to index
          %get3A_95 = arith.constant 96 : index
          %get3A_96 = tpu.vector_load %arg14[%get3A_94, %get3A_95] {strides = array<i32>} : memref<80x128xf32, #tpu.memory_space<vmem>>, vector<16xf32>,
          %mul3A_97 = arith.mulf %get3A_96, %gather3A : vector<16xf32>
          %swap3A_98 = arith.index_cast %scan3A_53 : i32 to index
          %swap3A_99 = arith.constant 96 : index
          %swap3A_100 = tpu.vector_load %arg14[%swap3A_98, %swap3A_99] {strides = array<i32>} : memref<80x128xf32, #tpu.memory_space<vmem>>, vector<16xf32>,
          tpu.vector_store %arg14[%swap3A_98, %swap3A_99], %mul3A_97 {strides = array<i32>} : memref<80x128xf32, #tpu.memory_space<vmem>>, vector<16xf32>,
          %get3A_101 = arith.index_cast %scan3A_53 : i32 to index
          %get3A_102 = arith.constant 112 : index
          %get3A_103 = tpu.vector_load %arg14[%get3A_101, %get3A_102] {strides = array<i32>} : memref<80x128xf32, #tpu.memory_space<vmem>>, vector<16xf32>,
          %mul3A_104 = arith.mulf %get3A_103, %gather3A : vector<16xf32>
          %swap3A_105 = arith.index_cast %scan3A_53 : i32 to index
          %swap3A_106 = arith.constant 112 : index
          %swap3A_107 = tpu.vector_load %arg14[%swap3A_105, %swap3A_106] {strides = array<i32>} : memref<80x128xf32, #tpu.memory_space<vmem>>, vector<16xf32>,
          tpu.vector_store %arg14[%swap3A_105, %swap3A_106], %mul3A_104 {strides = array<i32>} : memref<80x128xf32, #tpu.memory_space<vmem>>, vector<16xf32>,
        }
        %scan3A_52 = arith.constant 80 : i32
      } else {
      }
      %eq3A_38 = arith.constant 1 : i32
      %eq3A_39 = arith.cmpi eq, %arg0, %eq3A_38 : i32
      %convert_element_type3A_40 = arith.extui %eq3A_39 : i1 to i32
      %cond3A_41 = arith.constant 0 : i32
      %cond3A_42 = arith.cmpi ne, %convert_element_type3A_40, %cond3A_41 : i32
      scf.if %cond3A_42 {
        %dma_start3A = arith.constant 0 : i32
        %dma_start3A_43 = arith.constant 0 : i32
        %dma_start3A_44 = tpu.memref_slice %arg3[%dma_start3A, %dma_start3A_43] : memref<10000x128xf32, #tpu.memory_space<hbm>> -> memref<10000x128xf32, #tpu.memory_space<hbm>>
        tpu.enqueue_indirect_dma source(%dma_start3A_44 : memref<10000x128xf32, #tpu.memory_space<hbm>>) target(%arg14 : memref<80x128xf32, #tpu.memory_space<vmem>>) offsets(%arg11 : memref<80xi32, #tpu.memory_space<vmem>>) semaphore(%arg15 : memref<!tpu.dma_semaphore, #tpu.memory_space<semaphore_mem>>)
        %dma_wait3A = arith.constant 0 : i32
        %dma_wait3A_45 = arith.constant 0 : i32
        %dma_wait3A_46 = tpu.memref_slice %arg3[%dma_wait3A, %dma_wait3A_45] : memref<10000x128xf32, #tpu.memory_space<hbm>> -> memref<10000x128xf32, #tpu.memory_space<hbm>>
        tpu.wait_indirect_dma semaphore(%arg15 : memref<!tpu.dma_semaphore, #tpu.memory_space<semaphore_mem>>) src(%dma_wait3A_46 : memref<10000x128xf32, #tpu.memory_space<hbm>>) dst(%arg14 : memref<80x128xf32, #tpu.memory_space<vmem>>)
      } else {
      }
      "tpu.region"() ({
        %run_scoped3A = tpu.sem_alloc : memref<!tpu.dma_semaphore, #tpu.memory_space<semaphore_mem>>
        %dma_start3A = arith.constant 0 : i32
        %dma_start3A_43 = arith.constant 0 : i32
        %dma_start3A_44 = tpu.memref_slice %arg10[%dma_start3A, %dma_start3A_43] : memref<10000x128xf32, #tpu.memory_space<vmem_shared>> -> memref<10000x128xf32, #tpu.memory_space<vmem_shared>>
        tpu.enqueue_indirect_dma source(%arg14 : memref<80x128xf32, #tpu.memory_space<vmem>>) target(%dma_start3A_44 : memref<10000x128xf32, #tpu.memory_space<vmem_shared>>) offsets(%arg12 : memref<80xi32, #tpu.memory_space<vmem>>) semaphore(%run_scoped3A : memref<!tpu.dma_semaphore, #tpu.memory_space<semaphore_mem>>) {add = true}
        %dma_wait3A = arith.constant 0 : i32
        %dma_wait3A_45 = arith.constant 0 : i32
        %dma_wait3A_46 = tpu.memref_slice %arg10[%dma_wait3A, %dma_wait3A_45] : memref<10000x128xf32, #tpu.memory_space<vmem_shared>> -> memref<10000x128xf32, #tpu.memory_space<vmem_shared>>
        tpu.wait_indirect_dma semaphore(%run_scoped3A : memref<!tpu.dma_semaphore, #tpu.memory_space<semaphore_mem>>) src(%arg14 : memref<80x128xf32, #tpu.memory_space<vmem>>) dst(%dma_wait3A_46 : memref<10000x128xf32, #tpu.memory_space<vmem_shared>>)
        tpu.yield
      }) : () -> ()
    }
    %scan3A_9 = arith.constant 250 : i32
    %barrier3A_10 = arith.constant 0 : index
    tpu.barrier barrier_id(%barrier3A_10)
    %mul3A_11 = arith.constant 624 : i32
    %mul3A_12 = arith.muli %arg1, %mul3A_11 : i32
    %multiple_of3A_13 = tpu.assume_multiple %mul3A_12, 8 : i32
    %eq3A_14 = arith.constant 0 : i32
    %eq3A_15 = arith.cmpi eq, %arg0, %eq3A_14 : i32
    %convert_element_type3A_16 = arith.extui %eq3A_15 : i1 to i32
    %cond3A_17 = arith.constant 0 : i32
    %cond3A_18 = arith.cmpi ne, %convert_element_type3A_16, %cond3A_17 : i32
    scf.if %cond3A_18 {
      "tpu.region"() ({
        %run_scoped3A = tpu.sem_alloc : memref<!tpu.dma_semaphore, #tpu.memory_space<semaphore_mem>>
        %dma_start3A = arith.constant 0 : i32
        %dma_start3A_29 = tpu.memref_slice %arg8[%multiple_of3A_13, %dma_start3A] : memref<10000x128xf32, #tpu.memory_space<hbm>> -> memref<624x128xf32, #tpu.memory_space<hbm>>
        %dma_start3A_30 = arith.constant 0 : i32
        %dma_start3A_31 = tpu.memref_slice %arg10[%multiple_of3A_13, %dma_start3A_30] : memref<10000x128xf32, #tpu.memory_space<vmem_shared>> -> memref<624x128xf32, #tpu.memory_space<vmem_shared>>
        tpu.enqueue_dma source(%dma_start3A_31 : memref<624x128xf32, #tpu.memory_space<vmem_shared>>) target(%dma_start3A_29 : memref<624x128xf32, #tpu.memory_space<hbm>>) target_semaphore(%run_scoped3A : memref<!tpu.dma_semaphore, #tpu.memory_space<semaphore_mem>>)
        %dma_wait3A = arith.constant 0 : i32
        %dma_wait3A_32 = tpu.memref_slice %arg8[%multiple_of3A_13, %dma_wait3A] : memref<10000x128xf32, #tpu.memory_space<hbm>> -> memref<624x128xf32, #tpu.memory_space<hbm>>
        %dma_wait3A_33 = arith.constant 0 : i32
        %dma_wait3A_34 = tpu.memref_slice %arg10[%multiple_of3A_13, %dma_wait3A_33] : memref<10000x128xf32, #tpu.memory_space<vmem_shared>> -> memref<624x128xf32, #tpu.memory_space<vmem_shared>>
        tpu.wait_dma2 semaphore(%run_scoped3A : memref<!tpu.dma_semaphore, #tpu.memory_space<semaphore_mem>>) src(%dma_wait3A_34 : memref<624x128xf32, #tpu.memory_space<vmem_shared>>) dst(%dma_wait3A_32 : memref<624x128xf32, #tpu.memory_space<hbm>>)
        tpu.yield
      }) : () -> ()
    } else {
    }
    %eq3A_19 = arith.constant 1 : i32
    %eq3A_20 = arith.cmpi eq, %arg0, %eq3A_19 : i32
    %convert_element_type3A_21 = arith.extui %eq3A_20 : i1 to i32
    %cond3A_22 = arith.constant 0 : i32
    %cond3A_23 = arith.cmpi ne, %convert_element_type3A_21, %cond3A_22 : i32
    scf.if %cond3A_23 {
      "tpu.region"() ({
        %run_scoped3A = tpu.sem_alloc : memref<!tpu.dma_semaphore, #tpu.memory_space<semaphore_mem>>
        %dma_start3A = arith.constant 0 : i32
        %dma_start3A_29 = tpu.memref_slice %arg9[%multiple_of3A_13, %dma_start3A] : memref<10000x128xf32, #tpu.memory_space<hbm>> -> memref<624x128xf32, #tpu.memory_space<hbm>>
        %dma_start3A_30 = arith.constant 0 : i32
        %dma_start3A_31 = tpu.memref_slice %arg10[%multiple_of3A_13, %dma_start3A_30] : memref<10000x128xf32, #tpu.memory_space<vmem_shared>> -> memref<624x128xf32, #tpu.memory_space<vmem_shared>>
        tpu.enqueue_dma source(%dma_start3A_31 : memref<624x128xf32, #tpu.memory_space<vmem_shared>>) target(%dma_start3A_29 : memref<624x128xf32, #tpu.memory_space<hbm>>) target_semaphore(%run_scoped3A : memref<!tpu.dma_semaphore, #tpu.memory_space<semaphore_mem>>)
        %dma_wait3A = arith.constant 0 : i32
        %dma_wait3A_32 = tpu.memref_slice %arg9[%multiple_of3A_13, %dma_wait3A] : memref<10000x128xf32, #tpu.memory_space<hbm>> -> memref<624x128xf32, #tpu.memory_space<hbm>>
        %dma_wait3A_33 = arith.constant 0 : i32
        %dma_wait3A_34 = tpu.memref_slice %arg10[%multiple_of3A_13, %dma_wait3A_33] : memref<10000x128xf32, #tpu.memory_space<vmem_shared>> -> memref<624x128xf32, #tpu.memory_space<vmem_shared>>
        tpu.wait_dma2 semaphore(%run_scoped3A : memref<!tpu.dma_semaphore, #tpu.memory_space<semaphore_mem>>) src(%dma_wait3A_34 : memref<624x128xf32, #tpu.memory_space<vmem_shared>>) dst(%dma_wait3A_32 : memref<624x128xf32, #tpu.memory_space<hbm>>)
        tpu.yield
      }) : () -> ()
    } else {
    }
    %eq3A_24 = arith.constant 15 : i32
    %eq3A_25 = arith.cmpi eq, %arg1, %eq3A_24 : i32
    %convert_element_type3A_26 = arith.extui %eq3A_25 : i1 to i32
    %cond3A_27 = arith.constant 0 : i32
    %cond3A_28 = arith.cmpi ne, %convert_element_type3A_26, %cond3A_27 : i32
    scf.if %cond3A_28 {
      %multiple_of3A_29 = arith.constant 9984 : i32
      %multiple_of3A_30 = tpu.assume_multiple %multiple_of3A_29, 8 : i32
      %eq3A_31 = arith.constant 0 : i32
      %eq3A_32 = arith.cmpi eq, %arg0, %eq3A_31 : i32
      %convert_element_type3A_33 = arith.extui %eq3A_32 : i1 to i32
      %cond3A_34 = arith.constant 0 : i32
      %cond3A_35 = arith.cmpi ne, %convert_element_type3A_33, %cond3A_34 : i32
      scf.if %cond3A_35 {
        "tpu.region"() ({
          %run_scoped3A = tpu.sem_alloc : memref<!tpu.dma_semaphore, #tpu.memory_space<semaphore_mem>>
          %dma_start3A = arith.constant 0 : i32
          %dma_start3A_41 = tpu.memref_slice %arg8[%multiple_of3A_30, %dma_start3A] : memref<10000x128xf32, #tpu.memory_space<hbm>> -> memref<16x128xf32, #tpu.memory_space<hbm>>
          %dma_start3A_42 = arith.constant 0 : i32
          %dma_start3A_43 = tpu.memref_slice %arg10[%multiple_of3A_30, %dma_start3A_42] : memref<10000x128xf32, #tpu.memory_space<vmem_shared>> -> memref<16x128xf32, #tpu.memory_space<vmem_shared>>
          tpu.enqueue_dma source(%dma_start3A_43 : memref<16x128xf32, #tpu.memory_space<vmem_shared>>) target(%dma_start3A_41 : memref<16x128xf32, #tpu.memory_space<hbm>>) target_semaphore(%run_scoped3A : memref<!tpu.dma_semaphore, #tpu.memory_space<semaphore_mem>>)
          %dma_wait3A = arith.constant 0 : i32
          %dma_wait3A_44 = tpu.memref_slice %arg8[%multiple_of3A_30, %dma_wait3A] : memref<10000x128xf32, #tpu.memory_space<hbm>> -> memref<16x128xf32, #tpu.memory_space<hbm>>
          %dma_wait3A_45 = arith.constant 0 : i32
          %dma_wait3A_46 = tpu.memref_slice %arg10[%multiple_of3A_30, %dma_wait3A_45] : memref<10000x128xf32, #tpu.memory_space<vmem_shared>> -> memref<16x128xf32, #tpu.memory_space<vmem_shared>>
          tpu.wait_dma2 semaphore(%run_scoped3A : memref<!tpu.dma_semaphore, #tpu.memory_space<semaphore_mem>>) src(%dma_wait3A_46 : memref<16x128xf32, #tpu.memory_space<vmem_shared>>) dst(%dma_wait3A_44 : memref<16x128xf32, #tpu.memory_space<hbm>>)
          tpu.yield
        }) : () -> ()
      } else {
      }
      %eq3A_36 = arith.constant 1 : i32
      %eq3A_37 = arith.cmpi eq, %arg0, %eq3A_36 : i32
      %convert_element_type3A_38 = arith.extui %eq3A_37 : i1 to i32
      %cond3A_39 = arith.constant 0 : i32
      %cond3A_40 = arith.cmpi ne, %convert_element_type3A_38, %cond3A_39 : i32
      scf.if %cond3A_40 {
        "tpu.region"() ({
          %run_scoped3A = tpu.sem_alloc : memref<!tpu.dma_semaphore, #tpu.memory_space<semaphore_mem>>
          %dma_start3A = arith.constant 0 : i32
          %dma_start3A_41 = tpu.memref_slice %arg9[%multiple_of3A_30, %dma_start3A] : memref<10000x128xf32, #tpu.memory_space<hbm>> -> memref<16x128xf32, #tpu.memory_space<hbm>>
          %dma_start3A_42 = arith.constant 0 : i32
          %dma_start3A_43 = tpu.memref_slice %arg10[%multiple_of3A_30, %dma_start3A_42] : memref<10000x128xf32, #tpu.memory_space<vmem_shared>> -> memref<16x128xf32, #tpu.memory_space<vmem_shared>>
          tpu.enqueue_dma source(%dma_start3A_43 : memref<16x128xf32, #tpu.memory_space<vmem_shared>>) target(%dma_start3A_41 : memref<16x128xf32, #tpu.memory_space<hbm>>) target_semaphore(%run_scoped3A : memref<!tpu.dma_semaphore, #tpu.memory_space<semaphore_mem>>)
          %dma_wait3A = arith.constant 0 : i32
          %dma_wait3A_44 = tpu.memref_slice %arg9[%multiple_of3A_30, %dma_wait3A] : memref<10000x128xf32, #tpu.memory_space<hbm>> -> memref<16x128xf32, #tpu.memory_space<hbm>>
          %dma_wait3A_45 = arith.constant 0 : i32
          %dma_wait3A_46 = tpu.memref_slice %arg10[%multiple_of3A_30, %dma_wait3A_45] : memref<10000x128xf32, #tpu.memory_space<vmem_shared>> -> memref<16x128xf32, #tpu.memory_space<vmem_shared>>
          tpu.wait_dma2 semaphore(%run_scoped3A : memref<!tpu.dma_semaphore, #tpu.memory_space<semaphore_mem>>) src(%dma_wait3A_46 : memref<16x128xf32, #tpu.memory_space<vmem_shared>>) dst(%dma_wait3A_44 : memref<16x128xf32, #tpu.memory_space<hbm>>)
          tpu.yield
        }) : () -> ()
      } else {
      }
    } else {
    }
    return
  }
}

#map = affine_map<(d0, d1) -> (0)>
#map1 = affine_map<(d0, d1) -> (0, 0)>
#map2 = affine_map<(d0, d1) -> (0, 0, 0)>
module attributes {stable_mosaic.version = 14 : i64} {
  func.func @_sc_deg(%arg0: i32, %arg1: i32, %arg2: memref<320000xi32, #tpu.memory_space<hbm>>, %arg3: memref<10000x128xf32, #tpu.memory_space<hbm>>, %arg4: memref<80x128xf32, #tpu.memory_space<hbm>>, %arg5: memref<2x10000x128xf32, #tpu.memory_space<hbm>>, %arg6: memref<10000x128xf32, #tpu.memory_space<vmem_shared>>, %arg7: memref<80xi32, #tpu.memory_space<vmem>>, %arg8: memref<80x128xf32, #tpu.memory_space<vmem>>) attributes {dimension_semantics = [#tpu.dimension_semantics<core_parallel>, #tpu.dimension_semantics<subcore_parallel>], iteration_bounds = array<i64: 2, 16>, scalar_prefetch = 0 : i64, scratch_operands = 3 : i64, tpu.core_type = #tpu.core_type<sc_vector_subcore>, window_params = [{transform_indices = #map}, {transform_indices = #map1}, {transform_indices = #map1}, {transform_indices = #map2}]} {
    %mul3A = arith.constant 624 : i32
    %mul3A_0 = arith.muli %arg1, %mul3A : i32
    %multiple_of3A = tpu.assume_multiple %mul3A_0, 8 : i32
    "tpu.region"() ({
      %run_scoped3A = tpu.sem_alloc : memref<!tpu.dma_semaphore, #tpu.memory_space<semaphore_mem>>
      %dma_start3A = arith.constant 0 : i32
      %dma_start3A_21 = tpu.memref_slice %arg6[%multiple_of3A, %dma_start3A] : memref<10000x128xf32, #tpu.memory_space<vmem_shared>> -> memref<624x128xf32, #tpu.memory_space<vmem_shared>>
      %dma_start3A_22 = arith.constant 0 : i32
      %dma_start3A_23 = tpu.memref_slice %arg3[%multiple_of3A, %dma_start3A_22] : memref<10000x128xf32, #tpu.memory_space<hbm>> -> memref<624x128xf32, #tpu.memory_space<hbm>>
      tpu.enqueue_dma source(%dma_start3A_23 : memref<624x128xf32, #tpu.memory_space<hbm>>) target(%dma_start3A_21 : memref<624x128xf32, #tpu.memory_space<vmem_shared>>) target_semaphore(%run_scoped3A : memref<!tpu.dma_semaphore, #tpu.memory_space<semaphore_mem>>)
      %dma_wait3A = arith.constant 0 : i32
      %dma_wait3A_24 = tpu.memref_slice %arg6[%multiple_of3A, %dma_wait3A] : memref<10000x128xf32, #tpu.memory_space<vmem_shared>> -> memref<624x128xf32, #tpu.memory_space<vmem_shared>>
      %dma_wait3A_25 = arith.constant 0 : i32
      %dma_wait3A_26 = tpu.memref_slice %arg3[%multiple_of3A, %dma_wait3A_25] : memref<10000x128xf32, #tpu.memory_space<hbm>> -> memref<624x128xf32, #tpu.memory_space<hbm>>
      tpu.wait_dma2 semaphore(%run_scoped3A : memref<!tpu.dma_semaphore, #tpu.memory_space<semaphore_mem>>) src(%dma_wait3A_26 : memref<624x128xf32, #tpu.memory_space<hbm>>) dst(%dma_wait3A_24 : memref<624x128xf32, #tpu.memory_space<vmem_shared>>)
      tpu.yield
    }) : () -> ()
    %eq3A = arith.constant 15 : i32
    %eq3A_1 = arith.cmpi eq, %arg1, %eq3A : i32
    %convert_element_type3A = arith.extui %eq3A_1 : i1 to i32
    %cond3A = arith.constant 0 : i32
    %cond3A_2 = arith.cmpi ne, %convert_element_type3A, %cond3A : i32
    scf.if %cond3A_2 {
      %multiple_of3A_21 = arith.constant 9984 : i32
      %multiple_of3A_22 = tpu.assume_multiple %multiple_of3A_21, 8 : i32
      "tpu.region"() ({
        %run_scoped3A = tpu.sem_alloc : memref<!tpu.dma_semaphore, #tpu.memory_space<semaphore_mem>>
        %dma_start3A = arith.constant 0 : i32
        %dma_start3A_23 = tpu.memref_slice %arg6[%multiple_of3A_22, %dma_start3A] : memref<10000x128xf32, #tpu.memory_space<vmem_shared>> -> memref<16x128xf32, #tpu.memory_space<vmem_shared>>
        %dma_start3A_24 = arith.constant 0 : i32
        %dma_start3A_25 = tpu.memref_slice %arg3[%multiple_of3A_22, %dma_start3A_24] : memref<10000x128xf32, #tpu.memory_space<hbm>> -> memref<16x128xf32, #tpu.memory_space<hbm>>
        tpu.enqueue_dma source(%dma_start3A_25 : memref<16x128xf32, #tpu.memory_space<hbm>>) target(%dma_start3A_23 : memref<16x128xf32, #tpu.memory_space<vmem_shared>>) target_semaphore(%run_scoped3A : memref<!tpu.dma_semaphore, #tpu.memory_space<semaphore_mem>>)
        %dma_wait3A = arith.constant 0 : i32
        %dma_wait3A_26 = tpu.memref_slice %arg6[%multiple_of3A_22, %dma_wait3A] : memref<10000x128xf32, #tpu.memory_space<vmem_shared>> -> memref<16x128xf32, #tpu.memory_space<vmem_shared>>
        %dma_wait3A_27 = arith.constant 0 : i32
        %dma_wait3A_28 = tpu.memref_slice %arg3[%multiple_of3A_22, %dma_wait3A_27] : memref<10000x128xf32, #tpu.memory_space<hbm>> -> memref<16x128xf32, #tpu.memory_space<hbm>>
        tpu.wait_dma2 semaphore(%run_scoped3A : memref<!tpu.dma_semaphore, #tpu.memory_space<semaphore_mem>>) src(%dma_wait3A_28 : memref<16x128xf32, #tpu.memory_space<hbm>>) dst(%dma_wait3A_26 : memref<16x128xf32, #tpu.memory_space<vmem_shared>>)
        tpu.yield
      }) : () -> ()
    } else {
    }
    "tpu.region"() ({
      %run_scoped3A = tpu.sem_alloc : memref<!tpu.dma_semaphore, #tpu.memory_space<semaphore_mem>>
      tpu.enqueue_dma source(%arg4 : memref<80x128xf32, #tpu.memory_space<hbm>>) target(%arg8 : memref<80x128xf32, #tpu.memory_space<vmem>>) target_semaphore(%run_scoped3A : memref<!tpu.dma_semaphore, #tpu.memory_space<semaphore_mem>>)
      tpu.wait_dma2 semaphore(%run_scoped3A : memref<!tpu.dma_semaphore, #tpu.memory_space<semaphore_mem>>) src(%arg4 : memref<80x128xf32, #tpu.memory_space<hbm>>) dst(%arg8 : memref<80x128xf32, #tpu.memory_space<vmem>>)
      tpu.yield
    }) : () -> ()
    %barrier3A = arith.constant 0 : index
    tpu.barrier barrier_id(%barrier3A)
    %mul3A_3 = arith.constant 16 : i32
    %mul3A_4 = arith.muli %arg0, %mul3A_3 : i32
    %add3A = arith.addi %mul3A_4, %arg1 : i32
    %mul3A_5 = arith.constant 10000 : i32
    %mul3A_6 = arith.muli %add3A, %mul3A_5 : i32
    %scan3A = arith.constant 0 : i32
    %scan3A_7 = arith.constant 0 : i32
    %scan3A_8 = arith.constant 125 : i32
    %scan3A_9 = arith.addi %scan3A_7, %scan3A_8 : i32
    %scan3A_10 = arith.constant 1 : i32
    scf.for %scan3A_21 = %scan3A_7 to %scan3A_9 step %scan3A_10  : i32 {
      %mul3A_22 = arith.constant 80 : i32
      %mul3A_23 = arith.muli %scan3A_21, %mul3A_22 : i32
      %add3A_24 = arith.addi %mul3A_6, %mul3A_23 : i32
      %multiple_of3A_25 = tpu.assume_multiple %add3A_24, 8 : i32
      "tpu.region"() ({
        %run_scoped3A = tpu.sem_alloc : memref<!tpu.dma_semaphore, #tpu.memory_space<semaphore_mem>>
        %dma_start3A = tpu.memref_slice %arg2[%multiple_of3A_25] : memref<320000xi32, #tpu.memory_space<hbm>> -> memref<80xi32, #tpu.memory_space<hbm>>
        %dma_start3A_26 = tpu.memref_slice %arg2[%multiple_of3A_25] : memref<320000xi32, #tpu.memory_space<hbm>> -> memref<80xi32, #tpu.memory_space<hbm>>
        tpu.enqueue_dma source(%dma_start3A_26 : memref<80xi32, #tpu.memory_space<hbm>>) target(%arg7 : memref<80xi32, #tpu.memory_space<vmem>>) target_semaphore(%run_scoped3A : memref<!tpu.dma_semaphore, #tpu.memory_space<semaphore_mem>>)
        %dma_wait3A = tpu.memref_slice %arg2[%multiple_of3A_25] : memref<320000xi32, #tpu.memory_space<hbm>> -> memref<80xi32, #tpu.memory_space<hbm>>
        %dma_wait3A_27 = tpu.memref_slice %arg2[%multiple_of3A_25] : memref<320000xi32, #tpu.memory_space<hbm>> -> memref<80xi32, #tpu.memory_space<hbm>>
        tpu.wait_dma2 semaphore(%run_scoped3A : memref<!tpu.dma_semaphore, #tpu.memory_space<semaphore_mem>>) src(%dma_wait3A_27 : memref<80xi32, #tpu.memory_space<hbm>>) dst(%arg7 : memref<80xi32, #tpu.memory_space<vmem>>)
        tpu.yield
      }) : () -> ()
      "tpu.region"() ({
        %run_scoped3A = tpu.sem_alloc : memref<!tpu.dma_semaphore, #tpu.memory_space<semaphore_mem>>
        %dma_start3A = arith.constant 0 : i32
        %dma_start3A_26 = arith.constant 0 : i32
        %dma_start3A_27 = tpu.memref_slice %arg6[%dma_start3A, %dma_start3A_26] : memref<10000x128xf32, #tpu.memory_space<vmem_shared>> -> memref<10000x128xf32, #tpu.memory_space<vmem_shared>>
        tpu.enqueue_indirect_dma source(%arg8 : memref<80x128xf32, #tpu.memory_space<vmem>>) target(%dma_start3A_27 : memref<10000x128xf32, #tpu.memory_space<vmem_shared>>) offsets(%arg7 : memref<80xi32, #tpu.memory_space<vmem>>) semaphore(%run_scoped3A : memref<!tpu.dma_semaphore, #tpu.memory_space<semaphore_mem>>) {add = true}
        %dma_wait3A = arith.constant 0 : i32
        %dma_wait3A_28 = arith.constant 0 : i32
        %dma_wait3A_29 = tpu.memref_slice %arg6[%dma_wait3A, %dma_wait3A_28] : memref<10000x128xf32, #tpu.memory_space<vmem_shared>> -> memref<10000x128xf32, #tpu.memory_space<vmem_shared>>
        tpu.wait_indirect_dma semaphore(%run_scoped3A : memref<!tpu.dma_semaphore, #tpu.memory_space<semaphore_mem>>) src(%arg8 : memref<80x128xf32, #tpu.memory_space<vmem>>) dst(%dma_wait3A_29 : memref<10000x128xf32, #tpu.memory_space<vmem_shared>>)
        tpu.yield
      }) : () -> ()
    }
    %scan3A_11 = arith.constant 125 : i32
    %barrier3A_12 = arith.constant 0 : index
    tpu.barrier barrier_id(%barrier3A_12)
    %mul3A_13 = arith.constant 624 : i32
    %mul3A_14 = arith.muli %arg1, %mul3A_13 : i32
    %multiple_of3A_15 = tpu.assume_multiple %mul3A_14, 8 : i32
    "tpu.region"() ({
      %run_scoped3A = tpu.sem_alloc : memref<!tpu.dma_semaphore, #tpu.memory_space<semaphore_mem>>
      %dma_start3A = arith.constant 0 : i32
      %dma_start3A_21 = tpu.memref_slice %arg5[%arg0, %multiple_of3A_15, %dma_start3A] : memref<2x10000x128xf32, #tpu.memory_space<hbm>> -> memref<1x624x128xf32, #tpu.memory_space<hbm>>
      %dma_start3A_22 = tpu.memref_squeeze %dma_start3A_21 : memref<1x624x128xf32, #tpu.memory_space<hbm>> -> memref<624x128xf32, #tpu.memory_space<hbm>>
      %dma_start3A_23 = arith.constant 0 : i32
      %dma_start3A_24 = tpu.memref_slice %arg6[%multiple_of3A_15, %dma_start3A_23] : memref<10000x128xf32, #tpu.memory_space<vmem_shared>> -> memref<624x128xf32, #tpu.memory_space<vmem_shared>>
      tpu.enqueue_dma source(%dma_start3A_24 : memref<624x128xf32, #tpu.memory_space<vmem_shared>>) target(%dma_start3A_22 : memref<624x128xf32, #tpu.memory_space<hbm>>) target_semaphore(%run_scoped3A : memref<!tpu.dma_semaphore, #tpu.memory_space<semaphore_mem>>)
      %dma_wait3A = arith.constant 0 : i32
      %dma_wait3A_25 = tpu.memref_slice %arg5[%arg0, %multiple_of3A_15, %dma_wait3A] : memref<2x10000x128xf32, #tpu.memory_space<hbm>> -> memref<1x624x128xf32, #tpu.memory_space<hbm>>
      %dma_wait3A_26 = tpu.memref_squeeze %dma_wait3A_25 : memref<1x624x128xf32, #tpu.memory_space<hbm>> -> memref<624x128xf32, #tpu.memory_space<hbm>>
      %dma_wait3A_27 = arith.constant 0 : i32
      %dma_wait3A_28 = tpu.memref_slice %arg6[%multiple_of3A_15, %dma_wait3A_27] : memref<10000x128xf32, #tpu.memory_space<vmem_shared>> -> memref<624x128xf32, #tpu.memory_space<vmem_shared>>
      tpu.wait_dma2 semaphore(%run_scoped3A : memref<!tpu.dma_semaphore, #tpu.memory_space<semaphore_mem>>) src(%dma_wait3A_28 : memref<624x128xf32, #tpu.memory_space<vmem_shared>>) dst(%dma_wait3A_26 : memref<624x128xf32, #tpu.memory_space<hbm>>)
      tpu.yield
    }) : () -> ()
    %eq3A_16 = arith.constant 15 : i32
    %eq3A_17 = arith.cmpi eq, %arg1, %eq3A_16 : i32
    %convert_element_type3A_18 = arith.extui %eq3A_17 : i1 to i32
    %cond3A_19 = arith.constant 0 : i32
    %cond3A_20 = arith.cmpi ne, %convert_element_type3A_18, %cond3A_19 : i32
    scf.if %cond3A_20 {
      %multiple_of3A_21 = arith.constant 9984 : i32
      %multiple_of3A_22 = tpu.assume_multiple %multiple_of3A_21, 8 : i32
      "tpu.region"() ({
        %run_scoped3A = tpu.sem_alloc : memref<!tpu.dma_semaphore, #tpu.memory_space<semaphore_mem>>
        %dma_start3A = arith.constant 0 : i32
        %dma_start3A_23 = tpu.memref_slice %arg5[%arg0, %multiple_of3A_22, %dma_start3A] : memref<2x10000x128xf32, #tpu.memory_space<hbm>> -> memref<1x16x128xf32, #tpu.memory_space<hbm>>
        %dma_start3A_24 = tpu.memref_squeeze %dma_start3A_23 : memref<1x16x128xf32, #tpu.memory_space<hbm>> -> memref<16x128xf32, #tpu.memory_space<hbm>>
        %dma_start3A_25 = arith.constant 0 : i32
        %dma_start3A_26 = tpu.memref_slice %arg6[%multiple_of3A_22, %dma_start3A_25] : memref<10000x128xf32, #tpu.memory_space<vmem_shared>> -> memref<16x128xf32, #tpu.memory_space<vmem_shared>>
        tpu.enqueue_dma source(%dma_start3A_26 : memref<16x128xf32, #tpu.memory_space<vmem_shared>>) target(%dma_start3A_24 : memref<16x128xf32, #tpu.memory_space<hbm>>) target_semaphore(%run_scoped3A : memref<!tpu.dma_semaphore, #tpu.memory_space<semaphore_mem>>)
        %dma_wait3A = arith.constant 0 : i32
        %dma_wait3A_27 = tpu.memref_slice %arg5[%arg0, %multiple_of3A_22, %dma_wait3A] : memref<2x10000x128xf32, #tpu.memory_space<hbm>> -> memref<1x16x128xf32, #tpu.memory_space<hbm>>
        %dma_wait3A_28 = tpu.memref_squeeze %dma_wait3A_27 : memref<1x16x128xf32, #tpu.memory_space<hbm>> -> memref<16x128xf32, #tpu.memory_space<hbm>>
        %dma_wait3A_29 = arith.constant 0 : i32
        %dma_wait3A_30 = tpu.memref_slice %arg6[%multiple_of3A_22, %dma_wait3A_29] : memref<10000x128xf32, #tpu.memory_space<vmem_shared>> -> memref<16x128xf32, #tpu.memory_space<vmem_shared>>
        tpu.wait_dma2 semaphore(%run_scoped3A : memref<!tpu.dma_semaphore, #tpu.memory_space<semaphore_mem>>) src(%dma_wait3A_30 : memref<16x128xf32, #tpu.memory_space<vmem_shared>>) dst(%dma_wait3A_28 : memref<16x128xf32, #tpu.memory_space<hbm>>)
        tpu.yield
      }) : () -> ()
    } else {
    }
    return
  }
}

module attributes {stable_mosaic.version = 14 : i64} {
  func.func @_tc_prep_body(%arg0: memref<10000x128xf32, #tpu.memory_space<vmem>>, %arg1: memref<10000x64xf32, #tpu.memory_space<vmem>>, %arg2: memref<2x10000x1xf32, #tpu.memory_space<vmem>>, %arg3: memref<10000x128xf32, #tpu.memory_space<vmem>>, %arg4: memref<10000x128xf32, #tpu.memory_space<vmem>>, %arg5: memref<10000x1xf32, #tpu.memory_space<vmem>>) attributes {dimension_semantics = [], scalar_prefetch = 0 : i64, scratch_operands = 0 : i64, tpu.core_type = #tpu.core_type<tc>} {
    %get3A = arith.constant 0 : index
    %get3A_0 = arith.constant 0 : index
    %get3A_1 = vector.load %arg0[%get3A, %get3A_0] : memref<10000x128xf32, #tpu.memory_space<vmem>>, vector<10000x128xf32>
    %reduce_sum3A = arith.constant dense<0.000000e+00> : vector<128xf32>
    %reduce_sum3A_2 = vector.multi_reduction <add>, %get3A_1, %reduce_sum3A [0] : vector<10000x128xf32> to vector<128xf32>
    %broadcast_in_dim3A = vector.shape_cast %reduce_sum3A_2 : vector<128xf32> to vector<1x128xf32>
    %div3A = arith.constant 1.000000e+04 : f32
    %div3A_3 = vector.broadcast %div3A : f32 to vector<1x128xf32>
    %div3A_4 = arith.divf %broadcast_in_dim3A, %div3A_3 : vector<1x128xf32>
    %sub3A = vector.broadcast %div3A_4 : vector<1x128xf32> to vector<10000x128xf32>
    %sub3A_5 = arith.subf %get3A_1, %sub3A : vector<10000x128xf32>
    %integer_pow3A = arith.mulf %sub3A_5, %sub3A_5 : vector<10000x128xf32>
    %reduce_sum3A_6 = arith.constant dense<0.000000e+00> : vector<128xf32>
    %reduce_sum3A_7 = vector.multi_reduction <add>, %integer_pow3A, %reduce_sum3A_6 [0] : vector<10000x128xf32> to vector<128xf32>
    %broadcast_in_dim3A_8 = vector.shape_cast %reduce_sum3A_7 : vector<128xf32> to vector<1x128xf32>
    %div3A_9 = arith.constant 9.999000e+03 : f32
    %div3A_10 = vector.broadcast %div3A_9 : f32 to vector<1x128xf32>
    %div3A_11 = arith.divf %broadcast_in_dim3A_8, %div3A_10 : vector<1x128xf32>
    %sub3A_12 = vector.broadcast %div3A_4 : vector<1x128xf32> to vector<10000x128xf32>
    %sub3A_13 = arith.subf %get3A_1, %sub3A_12 : vector<10000x128xf32>
    %sqrt3A = math.sqrt %div3A_11 : vector<1x128xf32>
    %add3A = arith.constant 9.99999997E-7 : f32
    %add3A_14 = vector.broadcast %add3A : f32 to vector<1x128xf32>
    %add3A_15 = arith.addf %sqrt3A, %add3A_14 : vector<1x128xf32>
    %div3A_16 = vector.broadcast %add3A_15 : vector<1x128xf32> to vector<10000x128xf32>
    %div3A_17 = arith.divf %sub3A_13, %div3A_16 : vector<10000x128xf32>
    %swap3A = arith.constant 0 : index
    %swap3A_18 = arith.constant 0 : index
    %swap3A_19 = vector.load %arg3[%swap3A, %swap3A_18] : memref<10000x128xf32, #tpu.memory_space<vmem>>, vector<10000x128xf32>
    tpu.vector_store %arg3[%swap3A, %swap3A_18], %div3A_17 {strides = array<i32>} : memref<10000x128xf32, #tpu.memory_space<vmem>>, vector<10000x128xf32>,
    %get3A_20 = arith.constant 0 : index
    %get3A_21 = arith.constant 0 : index
    %get3A_22 = arith.constant 0 : index
    %get3A_23 = vector.load %arg2[%get3A_20, %get3A_21, %get3A_22] : memref<2x10000x1xf32, #tpu.memory_space<vmem>>, vector<1x10000x1xf32>
    %get3A_24 = vector.shape_cast %get3A_23 : vector<1x10000x1xf32> to vector<10000x1xf32>
    %get3A_25 = arith.constant 1 : index
    %get3A_26 = arith.constant 0 : index
    %get3A_27 = arith.constant 0 : index
    %get3A_28 = vector.load %arg2[%get3A_25, %get3A_26, %get3A_27] : memref<2x10000x1xf32, #tpu.memory_space<vmem>>, vector<1x10000x1xf32>
    %get3A_29 = vector.shape_cast %get3A_28 : vector<1x10000x1xf32> to vector<10000x1xf32>
    %add3A_30 = arith.addf %get3A_24, %get3A_29 : vector<10000x1xf32>
    %add3A_31 = arith.constant 1.000000e+00 : f32
    %add3A_32 = vector.broadcast %add3A_31 : f32 to vector<10000x1xf32>
    %add3A_33 = arith.addf %add3A_30, %add3A_32 : vector<10000x1xf32>
    %rsqrt3A = math.rsqrt %add3A_33 : vector<10000x1xf32>
    %swap3A_34 = arith.constant 0 : index
    %swap3A_35 = arith.constant 0 : index
    %swap3A_36 = vector.load %arg5[%swap3A_34, %swap3A_35] : memref<10000x1xf32, #tpu.memory_space<vmem>>, vector<10000x1xf32>
    tpu.vector_store %arg5[%swap3A_34, %swap3A_35], %rsqrt3A {strides = array<i32>} : memref<10000x1xf32, #tpu.memory_space<vmem>>, vector<10000x1xf32>,
    %get3A_37 = arith.constant 0 : index
    %get3A_38 = arith.constant 0 : index
    %get3A_39 = vector.load %arg1[%get3A_37, %get3A_38] : memref<10000x64xf32, #tpu.memory_space<vmem>>, vector<10000x64xf32>
    %mul3A = vector.broadcast %rsqrt3A : vector<10000x1xf32> to vector<10000x64xf32>
    %mul3A_40 = arith.mulf %mul3A, %get3A_39 : vector<10000x64xf32>
    %swap3A_41 = arith.constant 0 : index
    %swap3A_42 = arith.constant 0 : index
    %swap3A_43 = vector.load %arg4[%swap3A_41, %swap3A_42] : memref<10000x128xf32, #tpu.memory_space<vmem>>, vector<10000x64xf32>
    tpu.vector_store %arg4[%swap3A_41, %swap3A_42], %mul3A_40 {strides = array<i32>} : memref<10000x128xf32, #tpu.memory_space<vmem>>, vector<10000x64xf32>,
    %broadcast_in_dim3A_44 = arith.constant 0.000000e+00 : f32
    %broadcast_in_dim3A_45 = vector.broadcast %broadcast_in_dim3A_44 : f32 to vector<10000x64xf32>
    %swap3A_46 = arith.constant 0 : index
    %swap3A_47 = arith.constant 64 : index
    %swap3A_48 = vector.load %arg4[%swap3A_46, %swap3A_47] : memref<10000x128xf32, #tpu.memory_space<vmem>>, vector<10000x64xf32>
    tpu.vector_store %arg4[%swap3A_46, %swap3A_47], %broadcast_in_dim3A_45 {strides = array<i32>} : memref<10000x128xf32, #tpu.memory_space<vmem>>, vector<10000x64xf32>,
    return
  }
}

module attributes {stable_mosaic.version = 14 : i64} {
  func.func @_tc_lstm_body(%arg0: memref<512x200xf32, #tpu.memory_space<vmem>>, %arg1: memref<200x256xf32, #tpu.memory_space<vmem>>, %arg2: memref<64x256xf32, #tpu.memory_space<vmem>>, %arg3: memref<1x256xf32, #tpu.memory_space<vmem>>, %arg4: memref<1x256xf32, #tpu.memory_space<vmem>>, %arg5: memref<1x64xf32, #tpu.memory_space<vmem>>, %arg6: memref<512x256xf32, #tpu.memory_space<vmem>>) attributes {dimension_semantics = [], scalar_prefetch = 0 : i64, scratch_operands = 1 : i64, tpu.core_type = #tpu.core_type<tc>} {
    %get3A = arith.constant 0 : index
    %get3A_0 = arith.constant 0 : index
    %get3A_1 = vector.load %arg0[%get3A, %get3A_0] : memref<512x200xf32, #tpu.memory_space<vmem>>, vector<512x200xf32>
    %get3A_2 = arith.constant 0 : index
    %get3A_3 = arith.constant 0 : index
    %get3A_4 = vector.load %arg1[%get3A_2, %get3A_3] : memref<200x256xf32, #tpu.memory_space<vmem>>, vector<200x256xf32>
    %dot_general3A = arith.constant dense<0.000000e+00> : vector<512x256xf32>
    %dot_general3A_5 = tpu.matmul %get3A_1, %get3A_4, %dot_general3A {dimension_numbers = #tpu.dot_dimension_numbers<[1], [0], [0], [1], [0, 0, 1, 1], [], []>, transpose_lhs_hint = false} : vector<512x200xf32>, vector<200x256xf32>, vector<512x256xf32> -> vector<512x256xf32>
    %get3A_6 = arith.constant 0 : index
    %get3A_7 = arith.constant 0 : index
    %get3A_8 = vector.load %arg3[%get3A_6, %get3A_7] : memref<1x256xf32, #tpu.memory_space<vmem>>, vector<1x256xf32>
    %add3A = vector.broadcast %get3A_8 : vector<1x256xf32> to vector<512x256xf32>
    %add3A_9 = arith.addf %dot_general3A_5, %add3A : vector<512x256xf32>
    %swap3A = arith.constant 0 : index
    %swap3A_10 = arith.constant 0 : index
    %swap3A_11 = vector.load %arg6[%swap3A, %swap3A_10] : memref<512x256xf32, #tpu.memory_space<vmem>>, vector<512x256xf32>
    tpu.vector_store %arg6[%swap3A, %swap3A_10], %add3A_9 {strides = array<i32>} : memref<512x256xf32, #tpu.memory_space<vmem>>, vector<512x256xf32>,
    %get3A_12 = arith.constant 0 : index
    %get3A_13 = arith.constant 0 : index
    %get3A_14 = vector.load %arg2[%get3A_12, %get3A_13] : memref<64x256xf32, #tpu.memory_space<vmem>>, vector<64x256xf32>
    %get3A_15 = arith.constant 0 : index
    %get3A_16 = arith.constant 0 : index
    %get3A_17 = vector.load %arg4[%get3A_15, %get3A_16] : memref<1x256xf32, #tpu.memory_space<vmem>>, vector<1x256xf32>
    %broadcast_in_dim3A = arith.constant 0.000000e+00 : f32
    %broadcast_in_dim3A_18 = vector.broadcast %broadcast_in_dim3A : f32 to vector<1x64xf32>
    %scan3A = arith.constant 0 : i32
    %scan3A_19 = arith.constant 512 : i32
    %scan3A_20 = arith.addi %scan3A, %scan3A_19 : i32
    %scan3A_21 = arith.constant 1 : i32
    %scan3A_22:2 = scf.for %scan3A_27 = %scan3A to %scan3A_20 step %scan3A_21 iter_args(%scan3A_28 = %broadcast_in_dim3A_18, %scan3A_29 = %broadcast_in_dim3A_18) -> (vector<1x64xf32>, vector<1x64xf32>)  : i32 {
      %get3A_30 = arith.index_cast %scan3A_27 : i32 to index
      %get3A_31 = arith.constant 0 : index
      %get3A_32 = vector.load %arg6[%get3A_30, %get3A_31] : memref<512x256xf32, #tpu.memory_space<vmem>>, vector<1x256xf32>
      %dot_general3A_33 = arith.constant dense<0.000000e+00> : vector<1x256xf32>
      %dot_general3A_34 = tpu.matmul %scan3A_28, %get3A_14, %dot_general3A_33 {dimension_numbers = #tpu.dot_dimension_numbers<[1], [0], [0], [1], [0, 0, 1, 1], [], []>, transpose_lhs_hint = false} : vector<1x64xf32>, vector<64x256xf32>, vector<1x256xf32> -> vector<1x256xf32>
      %add3A_35 = arith.addf %get3A_32, %dot_general3A_34 : vector<1x256xf32>
      %add3A_36 = arith.addf %add3A_35, %get3A_17 : vector<1x256xf32>
      %slice3A = vector.extract_strided_slice %add3A_36 {offsets = [0, 0], sizes = [1, 64], strides = [1, 1]} : vector<1x256xf32> to vector<1x64xf32>
      %logistic3A = arith.negf %slice3A : vector<1x64xf32>
      %logistic3A_37 = math.exp %logistic3A : vector<1x64xf32>
      %logistic3A_38 = arith.constant 1.000000e+00 : f32
      %logistic3A_39 = vector.broadcast %logistic3A_38 : f32 to vector<1x64xf32>
      %logistic3A_40 = arith.addf %logistic3A_39, %logistic3A_37 : vector<1x64xf32>
      %logistic3A_41 = arith.divf %logistic3A_39, %logistic3A_40 : vector<1x64xf32>
      %slice3A_42 = vector.extract_strided_slice %add3A_36 {offsets = [0, 64], sizes = [1, 64], strides = [1, 1]} : vector<1x256xf32> to vector<1x64xf32>
      %logistic3A_43 = arith.negf %slice3A_42 : vector<1x64xf32>
      %logistic3A_44 = math.exp %logistic3A_43 : vector<1x64xf32>
      %logistic3A_45 = arith.constant 1.000000e+00 : f32
      %logistic3A_46 = vector.broadcast %logistic3A_45 : f32 to vector<1x64xf32>
      %logistic3A_47 = arith.addf %logistic3A_46, %logistic3A_44 : vector<1x64xf32>
      %logistic3A_48 = arith.divf %logistic3A_46, %logistic3A_47 : vector<1x64xf32>
      %slice3A_49 = vector.extract_strided_slice %add3A_36 {offsets = [0, 128], sizes = [1, 64], strides = [1, 1]} : vector<1x256xf32> to vector<1x64xf32>
      %tanh3A = math.tanh %slice3A_49 : vector<1x64xf32>
      %slice3A_50 = vector.extract_strided_slice %add3A_36 {offsets = [0, 192], sizes = [1, 64], strides = [1, 1]} : vector<1x256xf32> to vector<1x64xf32>
      %logistic3A_51 = arith.negf %slice3A_50 : vector<1x64xf32>
      %logistic3A_52 = math.exp %logistic3A_51 : vector<1x64xf32>
      %logistic3A_53 = arith.constant 1.000000e+00 : f32
      %logistic3A_54 = vector.broadcast %logistic3A_53 : f32 to vector<1x64xf32>
      %logistic3A_55 = arith.addf %logistic3A_54, %logistic3A_52 : vector<1x64xf32>
      %logistic3A_56 = arith.divf %logistic3A_54, %logistic3A_55 : vector<1x64xf32>
      %mul3A = arith.mulf %logistic3A_48, %scan3A_29 : vector<1x64xf32>
      %mul3A_57 = arith.mulf %logistic3A_41, %tanh3A : vector<1x64xf32>
      %add3A_58 = arith.addf %mul3A, %mul3A_57 : vector<1x64xf32>
      %tanh3A_59 = math.tanh %add3A_58 : vector<1x64xf32>
      %mul3A_60 = arith.mulf %logistic3A_56, %tanh3A_59 : vector<1x64xf32>
      scf.yield %mul3A_60, %add3A_58 : vector<1x64xf32>, vector<1x64xf32>
    }
    %scan3A_23 = arith.constant 512 : i32
    %swap3A_24 = arith.constant 0 : index
    %swap3A_25 = arith.constant 0 : index
    %swap3A_26 = vector.load %arg5[%swap3A_24, %swap3A_25] : memref<1x64xf32, #tpu.memory_space<vmem>>, vector<1x64xf32>
    tpu.vector_store %arg5[%swap3A_24, %swap3A_25], %scan3A_22#0 {strides = array<i32>} : memref<1x64xf32, #tpu.memory_space<vmem>>, vector<1x64xf32>,
    return
  }
}

module attributes {stable_mosaic.version = 14 : i64} {
  func.func @_tc_b1_body(%arg0: i32, %arg1: memref<2000x128xf32, #tpu.memory_space<vmem>>, %arg2: memref<2000x128xf32, #tpu.memory_space<vmem>>, %arg3: memref<2000x128xf32, #tpu.memory_space<vmem>>, %arg4: memref<2000x64xf32, #tpu.memory_space<vmem>>, %arg5: memref<2000x64xf32, #tpu.memory_space<vmem>>, %arg6: memref<2000x1xf32, #tpu.memory_space<vmem>>, %arg7: memref<128x256xf32, #tpu.memory_space<vmem>>, %arg8: memref<128x256xf32, #tpu.memory_space<vmem>>, %arg9: memref<64x256xf32, #tpu.memory_space<vmem>>, %arg10: memref<1x256xf32, #tpu.memory_space<vmem>>, %arg11: memref<64x1xf32, #tpu.memory_space<vmem>>, %arg12: memref<2000x64xf32, #tpu.memory_space<vmem>>, %arg13: memref<2000x1xf32, #tpu.memory_space<vmem>>) attributes {dimension_semantics = [#tpu.dimension_semantics<arbitrary>], iteration_bounds = array<i64: 5>, scalar_prefetch = 0 : i64, scratch_operands = 0 : i64, tpu.core_type = #tpu.core_type<tc>, window_params = [{transform_indices = @transform_0, window_bounds = array<i64: 2000, 128>}, {transform_indices = @transform_1, window_bounds = array<i64: 2000, 128>}, {transform_indices = @transform_2, window_bounds = array<i64: 2000, 128>}, {transform_indices = @transform_3, window_bounds = array<i64: 2000, 64>}, {transform_indices = @transform_4, window_bounds = array<i64: 2000, 64>}, {transform_indices = @transform_5, window_bounds = array<i64: 2000, 1>}, {pipeline_mode = #tpu.pipeline_mode<synchronous>, transform_indices = @transform_6, window_bounds = array<i64: 128, 256>}, {pipeline_mode = #tpu.pipeline_mode<synchronous>, transform_indices = @transform_7, window_bounds = array<i64: 128, 256>}, {pipeline_mode = #tpu.pipeline_mode<synchronous>, transform_indices = @transform_8, window_bounds = array<i64: 64, 256>}, {pipeline_mode = #tpu.pipeline_mode<synchronous>, transform_indices = @transform_9, window_bounds = array<i64: 1, 256>}, {pipeline_mode = #tpu.pipeline_mode<synchronous>, transform_indices = @transform_10, window_bounds = array<i64: 64, 1>}, {transform_indices = @transform_11, window_bounds = array<i64: 2000, 64>}, {transform_indices = @transform_12, window_bounds = array<i64: 2000, 1>}]} {
    %get3A = arith.constant 0 : index
    %get3A_0 = arith.constant 0 : index
    %get3A_1 = vector.load %arg6[%get3A, %get3A_0] : memref<2000x1xf32, #tpu.memory_space<vmem>>, vector<2000x1xf32>
    %get3A_2 = arith.constant 0 : index
    %get3A_3 = arith.constant 0 : index
    %get3A_4 = vector.load %arg3[%get3A_2, %get3A_3] : memref<2000x128xf32, #tpu.memory_space<vmem>>, vector<2000x64xf32>
    %mul3A = vector.broadcast %get3A_1 : vector<2000x1xf32> to vector<2000x64xf32>
    %mul3A_5 = arith.mulf %mul3A, %get3A_4 : vector<2000x64xf32>
    %mul3A_6 = arith.mulf %get3A_1, %get3A_1 : vector<2000x1xf32>
    %get3A_7 = arith.constant 0 : index
    %get3A_8 = arith.constant 0 : index
    %get3A_9 = vector.load %arg4[%get3A_7, %get3A_8] : memref<2000x64xf32, #tpu.memory_space<vmem>>, vector<2000x64xf32>
    %mul3A_10 = vector.broadcast %mul3A_6 : vector<2000x1xf32> to vector<2000x64xf32>
    %mul3A_11 = arith.mulf %mul3A_10, %get3A_9 : vector<2000x64xf32>
    %add3A = arith.addf %mul3A_5, %mul3A_11 : vector<2000x64xf32>
    %get3A_12 = arith.constant 0 : index
    %get3A_13 = arith.constant 0 : index
    %get3A_14 = vector.load %arg1[%get3A_12, %get3A_13] : memref<2000x128xf32, #tpu.memory_space<vmem>>, vector<2000x128xf32>
    %get3A_15 = arith.constant 0 : index
    %get3A_16 = arith.constant 0 : index
    %get3A_17 = vector.load %arg7[%get3A_15, %get3A_16] : memref<128x256xf32, #tpu.memory_space<vmem>>, vector<128x256xf32>
    %dot_general3A = arith.constant dense<0.000000e+00> : vector<2000x256xf32>
    %dot_general3A_18 = tpu.matmul %get3A_14, %get3A_17, %dot_general3A {dimension_numbers = #tpu.dot_dimension_numbers<[1], [0], [0], [1], [0, 0, 1, 1], [], []>, transpose_lhs_hint = false} : vector<2000x128xf32>, vector<128x256xf32>, vector<2000x256xf32> -> vector<2000x256xf32>
    %get3A_19 = arith.constant 0 : index
    %get3A_20 = arith.constant 0 : index
    %get3A_21 = vector.load %arg2[%get3A_19, %get3A_20] : memref<2000x128xf32, #tpu.memory_space<vmem>>, vector<2000x128xf32>
    %get3A_22 = arith.constant 0 : index
    %get3A_23 = arith.constant 0 : index
    %get3A_24 = vector.load %arg8[%get3A_22, %get3A_23] : memref<128x256xf32, #tpu.memory_space<vmem>>, vector<128x256xf32>
    %dot_general3A_25 = arith.constant dense<0.000000e+00> : vector<2000x256xf32>
    %dot_general3A_26 = tpu.matmul %get3A_21, %get3A_24, %dot_general3A_25 {dimension_numbers = #tpu.dot_dimension_numbers<[1], [0], [0], [1], [0, 0, 1, 1], [], []>, transpose_lhs_hint = false} : vector<2000x128xf32>, vector<128x256xf32>, vector<2000x256xf32> -> vector<2000x256xf32>
    %add3A_27 = arith.addf %dot_general3A_18, %dot_general3A_26 : vector<2000x256xf32>
    %get3A_28 = arith.constant 0 : index
    %get3A_29 = arith.constant 0 : index
    %get3A_30 = vector.load %arg9[%get3A_28, %get3A_29] : memref<64x256xf32, #tpu.memory_space<vmem>>, vector<64x256xf32>
    %dot_general3A_31 = arith.constant dense<0.000000e+00> : vector<2000x256xf32>
    %dot_general3A_32 = tpu.matmul %add3A, %get3A_30, %dot_general3A_31 {dimension_numbers = #tpu.dot_dimension_numbers<[1], [0], [0], [1], [0, 0, 1, 1], [], []>, transpose_lhs_hint = false} : vector<2000x64xf32>, vector<64x256xf32>, vector<2000x256xf32> -> vector<2000x256xf32>
    %add3A_33 = arith.addf %add3A_27, %dot_general3A_32 : vector<2000x256xf32>
    %get3A_34 = arith.constant 0 : index
    %get3A_35 = arith.constant 0 : index
    %get3A_36 = vector.load %arg10[%get3A_34, %get3A_35] : memref<1x256xf32, #tpu.memory_space<vmem>>, vector<1x256xf32>
    %add3A_37 = vector.broadcast %get3A_36 : vector<1x256xf32> to vector<2000x256xf32>
    %add3A_38 = arith.addf %add3A_33, %add3A_37 : vector<2000x256xf32>
    %slice3A = vector.extract_strided_slice %add3A_38 {offsets = [0, 0], sizes = [2000, 64], strides = [1, 1]} : vector<2000x256xf32> to vector<2000x64xf32>
    %logistic3A = arith.negf %slice3A : vector<2000x64xf32>
    %logistic3A_39 = math.exp %logistic3A : vector<2000x64xf32>
    %logistic3A_40 = arith.constant 1.000000e+00 : f32
    %logistic3A_41 = vector.broadcast %logistic3A_40 : f32 to vector<2000x64xf32>
    %logistic3A_42 = arith.addf %logistic3A_41, %logistic3A_39 : vector<2000x64xf32>
    %logistic3A_43 = arith.divf %logistic3A_41, %logistic3A_42 : vector<2000x64xf32>
    %slice3A_44 = vector.extract_strided_slice %add3A_38 {offsets = [0, 64], sizes = [2000, 64], strides = [1, 1]} : vector<2000x256xf32> to vector<2000x64xf32>
    %logistic3A_45 = arith.negf %slice3A_44 : vector<2000x64xf32>
    %logistic3A_46 = math.exp %logistic3A_45 : vector<2000x64xf32>
    %logistic3A_47 = arith.constant 1.000000e+00 : f32
    %logistic3A_48 = vector.broadcast %logistic3A_47 : f32 to vector<2000x64xf32>
    %logistic3A_49 = arith.addf %logistic3A_48, %logistic3A_46 : vector<2000x64xf32>
    %logistic3A_50 = arith.divf %logistic3A_48, %logistic3A_49 : vector<2000x64xf32>
    %slice3A_51 = vector.extract_strided_slice %add3A_38 {offsets = [0, 128], sizes = [2000, 64], strides = [1, 1]} : vector<2000x256xf32> to vector<2000x64xf32>
    %logistic3A_52 = arith.negf %slice3A_51 : vector<2000x64xf32>
    %logistic3A_53 = math.exp %logistic3A_52 : vector<2000x64xf32>
    %logistic3A_54 = arith.constant 1.000000e+00 : f32
    %logistic3A_55 = vector.broadcast %logistic3A_54 : f32 to vector<2000x64xf32>
    %logistic3A_56 = arith.addf %logistic3A_55, %logistic3A_53 : vector<2000x64xf32>
    %logistic3A_57 = arith.divf %logistic3A_55, %logistic3A_56 : vector<2000x64xf32>
    %slice3A_58 = vector.extract_strided_slice %add3A_38 {offsets = [0, 192], sizes = [2000, 64], strides = [1, 1]} : vector<2000x256xf32> to vector<2000x64xf32>
    %max3A = arith.constant 0.000000e+00 : f32
    %max3A_59 = vector.broadcast %max3A : f32 to vector<2000x64xf32>
    %max3A_60 = arith.maximumf %slice3A_58, %max3A_59 : vector<2000x64xf32>
    %mul3A_61 = arith.mulf %logistic3A_43, %max3A_60 : vector<2000x64xf32>
    %get3A_62 = arith.constant 0 : index
    %get3A_63 = arith.constant 0 : index
    %get3A_64 = vector.load %arg5[%get3A_62, %get3A_63] : memref<2000x64xf32, #tpu.memory_space<vmem>>, vector<2000x64xf32>
    %mul3A_65 = arith.mulf %logistic3A_50, %get3A_64 : vector<2000x64xf32>
    %add3A_66 = arith.addf %mul3A_61, %mul3A_65 : vector<2000x64xf32>
    %tanh3A = math.tanh %add3A_66 : vector<2000x64xf32>
    %tanh3A_67 = math.tanh %tanh3A : vector<2000x64xf32>
    %mul3A_68 = arith.mulf %logistic3A_57, %tanh3A_67 : vector<2000x64xf32>
    %swap3A = arith.constant 0 : index
    %swap3A_69 = arith.constant 0 : index
    %swap3A_70 = vector.load %arg12[%swap3A, %swap3A_69] : memref<2000x64xf32, #tpu.memory_space<vmem>>, vector<2000x64xf32>
    tpu.vector_store %arg12[%swap3A, %swap3A_69], %mul3A_68 {strides = array<i32>} : memref<2000x64xf32, #tpu.memory_space<vmem>>, vector<2000x64xf32>,
    %get3A_71 = arith.constant 0 : index
    %get3A_72 = arith.constant 0 : index
    %get3A_73 = vector.load %arg11[%get3A_71, %get3A_72] : memref<64x1xf32, #tpu.memory_space<vmem>>, vector<64x1xf32>
    %mul3A_74 = arith.mulf %get3A_73, %get3A_73 : vector<64x1xf32>
    %reduce_sum3A = vector.shape_cast %mul3A_74 : vector<64x1xf32> to vector<1x64x1xf32>
    %reduce_sum3A_75 = arith.constant dense<0.000000e+00> : vector<1xf32>
    %reduce_sum3A_76 = vector.multi_reduction <add>, %reduce_sum3A, %reduce_sum3A_75 [1, 2] : vector<1x64x1xf32> to vector<1xf32>
    %reduce_sum3A_77 = vector.shape_cast %reduce_sum3A_76 : vector<1xf32> to vector<1x1x1xf32>
    %reduce_sum3A_78 = vector.extract %reduce_sum3A_77[0, 0, 0] : f32 from vector<1x1x1xf32>
    %sqrt3A = math.sqrt %reduce_sum3A_78 : f32
    %add3A_79 = arith.constant 9.99999993E-9 : f32
    %add3A_80 = arith.addf %sqrt3A, %add3A_79 : f32
    %div3A = vector.broadcast %add3A_80 : f32 to vector<64x1xf32>
    %div3A_81 = arith.divf %get3A_73, %div3A : vector<64x1xf32>
    %dot_general3A_82 = arith.constant dense<0.000000e+00> : vector<2000x1xf32>
    %dot_general3A_83 = tpu.matmul %mul3A_68, %div3A_81, %dot_general3A_82 {dimension_numbers = #tpu.dot_dimension_numbers<[1], [0], [0], [1], [0, 0, 1, 1], [], []>, transpose_lhs_hint = false} : vector<2000x64xf32>, vector<64x1xf32>, vector<2000x1xf32> -> vector<2000x1xf32>
    %swap3A_84 = arith.constant 0 : index
    %swap3A_85 = arith.constant 0 : index
    %swap3A_86 = vector.load %arg13[%swap3A_84, %swap3A_85] : memref<2000x1xf32, #tpu.memory_space<vmem>>, vector<2000x1xf32>
    tpu.vector_store %arg13[%swap3A_84, %swap3A_85], %dot_general3A_83 {strides = array<i32>} : memref<2000x1xf32, #tpu.memory_space<vmem>>, vector<2000x1xf32>,
    return
  }
  func.func @transform_0(%arg0: i32) -> (i32, i32) {
    %c0_i32 = arith.constant 0 : i32
    %c0_i32_0 = arith.constant 0 : i32
    return %arg0, %c0_i32 : i32, i32
  }
  func.func @transform_1(%arg0: i32) -> (i32, i32) {
    %c0_i32 = arith.constant 0 : i32
    %c0_i32_0 = arith.constant 0 : i32
    return %arg0, %c0_i32 : i32, i32
  }
  func.func @transform_2(%arg0: i32) -> (i32, i32) {
    %c0_i32 = arith.constant 0 : i32
    %c0_i32_0 = arith.constant 0 : i32
    return %arg0, %c0_i32 : i32, i32
  }
  func.func @transform_3(%arg0: i32) -> (i32, i32) {
    %c0_i32 = arith.constant 0 : i32
    %c0_i32_0 = arith.constant 0 : i32
    return %arg0, %c0_i32 : i32, i32
  }
  func.func @transform_4(%arg0: i32) -> (i32, i32) {
    %c0_i32 = arith.constant 0 : i32
    %c0_i32_0 = arith.constant 0 : i32
    return %arg0, %c0_i32 : i32, i32
  }
  func.func @transform_5(%arg0: i32) -> (i32, i32) {
    %c0_i32 = arith.constant 0 : i32
    %c0_i32_0 = arith.constant 0 : i32
    return %arg0, %c0_i32 : i32, i32
  }
  func.func @transform_6(%arg0: i32) -> (i32, i32) {
    %c0_i32 = arith.constant 0 : i32
    %c0_i32_0 = arith.constant 0 : i32
    %c0_i32_1 = arith.constant 0 : i32
    return %c0_i32, %c0_i32_0 : i32, i32
  }
  func.func @transform_7(%arg0: i32) -> (i32, i32) {
    %c0_i32 = arith.constant 0 : i32
    %c0_i32_0 = arith.constant 0 : i32
    %c0_i32_1 = arith.constant 0 : i32
    return %c0_i32, %c0_i32_0 : i32, i32
  }
  func.func @transform_8(%arg0: i32) -> (i32, i32) {
    %c0_i32 = arith.constant 0 : i32
    %c0_i32_0 = arith.constant 0 : i32
    %c0_i32_1 = arith.constant 0 : i32
    return %c0_i32, %c0_i32_0 : i32, i32
  }
  func.func @transform_9(%arg0: i32) -> (i32, i32) {
    %c0_i32 = arith.constant 0 : i32
    %c0_i32_0 = arith.constant 0 : i32
    %c0_i32_1 = arith.constant 0 : i32
    return %c0_i32, %c0_i32_0 : i32, i32
  }
  func.func @transform_10(%arg0: i32) -> (i32, i32) {
    %c0_i32 = arith.constant 0 : i32
    %c0_i32_0 = arith.constant 0 : i32
    %c0_i32_1 = arith.constant 0 : i32
    return %c0_i32, %c0_i32_0 : i32, i32
  }
  func.func @transform_11(%arg0: i32) -> (i32, i32) {
    %c0_i32 = arith.constant 0 : i32
    %c0_i32_0 = arith.constant 0 : i32
    return %arg0, %c0_i32 : i32, i32
  }
  func.func @transform_12(%arg0: i32) -> (i32, i32) {
    %c0_i32 = arith.constant 0 : i32
    %c0_i32_0 = arith.constant 0 : i32
    return %arg0, %c0_i32 : i32, i32
  }
}

module attributes {stable_mosaic.version = 14 : i64} {
  func.func @_tc_b2_body(%arg0: memref<10000x64xf32, #tpu.memory_space<vmem>>, %arg1: memref<10000x1xf32, #tpu.memory_space<vmem>>, %arg2: memref<1x64xf32, #tpu.memory_space<vmem>>, %arg3: memref<1x128xf32, #tpu.memory_space<vmem>>, %arg4: memref<1x128xf32, #tpu.memory_space<vmem>>, %arg5: memref<128x64xf32, #tpu.memory_space<vmem>>, %arg6: memref<1x64xf32, #tpu.memory_space<vmem>>, %arg7: memref<64x1xf32, #tpu.memory_space<vmem>>, %arg8: memref<1x1xf32, #tpu.memory_space<vmem>>, %arg9: memref<10000x1xf32, #tpu.memory_space<vmem>>, %arg10: memref<1x1xf32, #tpu.memory_space<vmem>>, %arg11: memref<1x1xf32, #tpu.memory_space<vmem>>) attributes {dimension_semantics = [], scalar_prefetch = 0 : i64, scratch_operands = 0 : i64, tpu.core_type = #tpu.core_type<tc>} {
    %get3A = arith.constant 0 : index
    %get3A_0 = arith.constant 0 : index
    %get3A_1 = vector.load %arg1[%get3A, %get3A_0] : memref<10000x1xf32, #tpu.memory_space<vmem>>, vector<10000x1xf32>
    %reduce_sum3A = vector.shape_cast %get3A_1 : vector<10000x1xf32> to vector<1x10000x1xf32>
    %reduce_sum3A_2 = arith.constant dense<0.000000e+00> : vector<1xf32>
    %reduce_sum3A_3 = vector.multi_reduction <add>, %reduce_sum3A, %reduce_sum3A_2 [1, 2] : vector<1x10000x1xf32> to vector<1xf32>
    %reduce_sum3A_4 = vector.shape_cast %reduce_sum3A_3 : vector<1xf32> to vector<1x1x1xf32>
    %reduce_sum3A_5 = vector.extract %reduce_sum3A_4[0, 0, 0] : f32 from vector<1x1x1xf32>
    %div3A = arith.constant 1.000000e+04 : f32
    %div3A_6 = arith.divf %reduce_sum3A_5, %div3A : f32
    %sub3A = vector.broadcast %div3A_6 : f32 to vector<10000x1xf32>
    %sub3A_7 = arith.subf %get3A_1, %sub3A : vector<10000x1xf32>
    %integer_pow3A = arith.mulf %sub3A_7, %sub3A_7 : vector<10000x1xf32>
    %reduce_sum3A_8 = vector.shape_cast %integer_pow3A : vector<10000x1xf32> to vector<1x10000x1xf32>
    %reduce_sum3A_9 = arith.constant dense<0.000000e+00> : vector<1xf32>
    %reduce_sum3A_10 = vector.multi_reduction <add>, %reduce_sum3A_8, %reduce_sum3A_9 [1, 2] : vector<1x10000x1xf32> to vector<1xf32>
    %reduce_sum3A_11 = vector.shape_cast %reduce_sum3A_10 : vector<1xf32> to vector<1x1x1xf32>
    %reduce_sum3A_12 = vector.extract %reduce_sum3A_11[0, 0, 0] : f32 from vector<1x1x1xf32>
    %div3A_13 = arith.constant 1.000000e+04 : f32
    %div3A_14 = arith.divf %reduce_sum3A_12, %div3A_13 : f32
    %sqrt3A = math.sqrt %div3A_14 : f32
    %sub3A_15 = vector.broadcast %div3A_6 : f32 to vector<10000x1xf32>
    %sub3A_16 = arith.subf %get3A_1, %sub3A_15 : vector<10000x1xf32>
    %add3A = arith.constant 9.99999993E-9 : f32
    %add3A_17 = arith.addf %sqrt3A, %add3A : f32
    %div3A_18 = vector.broadcast %add3A_17 : f32 to vector<10000x1xf32>
    %div3A_19 = arith.divf %sub3A_16, %div3A_18 : vector<10000x1xf32>
    %swap3A = arith.constant 0 : index
    %swap3A_20 = arith.constant 0 : index
    %swap3A_21 = vector.load %arg9[%swap3A, %swap3A_20] : memref<10000x1xf32, #tpu.memory_space<vmem>>, vector<10000x1xf32>
    tpu.vector_store %arg9[%swap3A, %swap3A_20], %div3A_19 {strides = array<i32>} : memref<10000x1xf32, #tpu.memory_space<vmem>>, vector<10000x1xf32>,
    %logistic3A = arith.negf %div3A_19 : vector<10000x1xf32>
    %logistic3A_22 = math.exp %logistic3A : vector<10000x1xf32>
    %logistic3A_23 = arith.constant 1.000000e+00 : f32
    %logistic3A_24 = vector.broadcast %logistic3A_23 : f32 to vector<10000x1xf32>
    %logistic3A_25 = arith.addf %logistic3A_24, %logistic3A_22 : vector<10000x1xf32>
    %logistic3A_26 = arith.divf %logistic3A_24, %logistic3A_25 : vector<10000x1xf32>
    %sub3A_27 = arith.constant 1.000000e+00 : f32
    %sub3A_28 = vector.broadcast %sub3A_27 : f32 to vector<10000x1xf32>
    %sub3A_29 = arith.subf %sub3A_28, %logistic3A_26 : vector<10000x1xf32>
    %mul3A = arith.mulf %logistic3A_26, %sub3A_29 : vector<10000x1xf32>
    %reduce_sum3A_30 = vector.shape_cast %mul3A : vector<10000x1xf32> to vector<1x10000x1xf32>
    %reduce_sum3A_31 = arith.constant dense<0.000000e+00> : vector<1xf32>
    %reduce_sum3A_32 = vector.multi_reduction <add>, %reduce_sum3A_30, %reduce_sum3A_31 [1, 2] : vector<1x10000x1xf32> to vector<1xf32>
    %reduce_sum3A_33 = vector.shape_cast %reduce_sum3A_32 : vector<1xf32> to vector<1x1x1xf32>
    %reduce_sum3A_34 = vector.extract %reduce_sum3A_33[0, 0, 0] : f32 from vector<1x1x1xf32>
    %div3A_35 = arith.constant 1.000000e+04 : f32
    %div3A_36 = arith.divf %reduce_sum3A_34, %div3A_35 : f32
    %reshape3A = vector.broadcast %div3A_36 : f32 to vector<1x1xf32>
    %swap3A_37 = arith.constant 0 : index
    %swap3A_38 = arith.constant 0 : index
    %swap3A_39 = vector.load %arg10[%swap3A_37, %swap3A_38] : memref<1x1xf32, #tpu.memory_space<vmem>>, vector<1x1xf32>
    tpu.vector_store %arg10[%swap3A_37, %swap3A_38], %reshape3A {strides = array<i32>} : memref<1x1xf32, #tpu.memory_space<vmem>>, vector<1x1xf32>,
    %bitcast_convert_type3A = tpu.bitcast %div3A_19 : vector<10000x1xf32> -> vector<10000x1xi32>
    %and3A = arith.constant -2147483648 : i32
    %and3A_40 = vector.broadcast %and3A : i32 to vector<10000x1xi32>
    %and3A_41 = arith.andi %bitcast_convert_type3A, %and3A_40 : vector<10000x1xi32>
    %ne3A = arith.constant 0 : i32
    %ne3A_42 = vector.broadcast %ne3A : i32 to vector<10000x1xi32>
    %ne3A_43 = arith.cmpi ne, %and3A_41, %ne3A_42 : vector<10000x1xi32>
    %not3A = arith.constant dense<-1> : vector<10000x1xi32>
    %not3A_44 = arith.xori %bitcast_convert_type3A, %not3A : vector<10000x1xi32>
    %or3A = arith.constant -2147483648 : i32
    %or3A_45 = vector.broadcast %or3A : i32 to vector<10000x1xi32>
    %or3A_46 = arith.ori %bitcast_convert_type3A, %or3A_45 : vector<10000x1xi32>
    %select_n3A = arith.select %ne3A_43, %not3A_44, %or3A_46 : vector<10000x1xi1>, vector<10000x1xi32>
    %scan3A = arith.constant 0 : i32
    %scan3A_47 = arith.constant 0 : i32
    %scan3A_48 = arith.constant 32 : i32
    %scan3A_49 = arith.addi %scan3A_47, %scan3A_48 : i32
    %scan3A_50 = arith.constant 1 : i32
    %scan3A_51 = scf.for %scan3A_150 = %scan3A_47 to %scan3A_49 step %scan3A_50 iter_args(%scan3A_151 = %scan3A) -> (i32)  : i32 {
      %sub3A_152 = arith.constant 31 : i32
      %sub3A_153 = arith.subi %sub3A_152, %scan3A_150 : i32
      %shift_left3A = arith.constant 1 : i32
      %shift_left3A_154 = arith.shli %shift_left3A, %sub3A_153 : i32
      %or3A_155 = arith.ori %scan3A_151, %shift_left3A_154 : i32
      %ge3A = vector.broadcast %or3A_155 : i32 to vector<10000x1xi32>
      %ge3A_156 = arith.cmpi uge, %select_n3A, %ge3A : vector<10000x1xi32>
      %convert_element_type3A_157 = arith.extui %ge3A_156 : vector<10000x1xi1> to vector<10000x1xi32>
      %convert_element_type3A_158 = arith.sitofp %convert_element_type3A_157 : vector<10000x1xi32> to vector<10000x1xf32>
      %reduce_sum3A_159 = vector.shape_cast %convert_element_type3A_158 : vector<10000x1xf32> to vector<1x10000x1xf32>
      %reduce_sum3A_160 = arith.constant dense<0.000000e+00> : vector<1xf32>
      %reduce_sum3A_161 = vector.multi_reduction <add>, %reduce_sum3A_159, %reduce_sum3A_160 [1, 2] : vector<1x10000x1xf32> to vector<1xf32>
      %reduce_sum3A_162 = vector.shape_cast %reduce_sum3A_161 : vector<1xf32> to vector<1x1x1xf32>
      %reduce_sum3A_163 = vector.extract %reduce_sum3A_162[0, 0, 0] : f32 from vector<1x1x1xf32>
      %ge3A_164 = arith.constant 1.000000e+02 : f32
      %ge3A_165 = arith.cmpf oge, %reduce_sum3A_163, %ge3A_164 : f32
      %select_n3A_166 = arith.select %ge3A_165, %or3A_155, %scan3A_151 : i32
      scf.yield %select_n3A_166 : i32
    }
    %scan3A_52 = arith.constant 32 : i32
    %gt3A = vector.broadcast %scan3A_51 : i32 to vector<10000x1xi32>
    %gt3A_53 = arith.cmpi ugt, %select_n3A, %gt3A : vector<10000x1xi32>
    %convert_element_type3A = arith.extui %gt3A_53 : vector<10000x1xi1> to vector<10000x1xi32>
    %convert_element_type3A_54 = arith.sitofp %convert_element_type3A : vector<10000x1xi32> to vector<10000x1xf32>
    %reduce_sum3A_55 = vector.shape_cast %convert_element_type3A_54 : vector<10000x1xf32> to vector<1x10000x1xf32>
    %reduce_sum3A_56 = arith.constant dense<0.000000e+00> : vector<1xf32>
    %reduce_sum3A_57 = vector.multi_reduction <add>, %reduce_sum3A_55, %reduce_sum3A_56 [1, 2] : vector<1x10000x1xf32> to vector<1xf32>
    %reduce_sum3A_58 = vector.shape_cast %reduce_sum3A_57 : vector<1xf32> to vector<1x1x1xf32>
    %reduce_sum3A_59 = vector.extract %reduce_sum3A_58[0, 0, 0] : f32 from vector<1x1x1xf32>
    %sub3A_60 = arith.constant 1.000000e+02 : f32
    %sub3A_61 = arith.subf %sub3A_60, %reduce_sum3A_59 : f32
    %iota3A = tpu.iota {dimensions = array<i32: 0>} : vector<10000x1xi32>
    %eq3A = vector.broadcast %scan3A_51 : i32 to vector<10000x1xi32>
    %eq3A_62 = arith.cmpi eq, %select_n3A, %eq3A : vector<10000x1xi32>
    %scan3A_63 = arith.constant 0 : i32
    %scan3A_64 = arith.constant 0 : i32
    %scan3A_65 = arith.constant 14 : i32
    %scan3A_66 = arith.addi %scan3A_64, %scan3A_65 : i32
    %scan3A_67 = arith.constant 1 : i32
    %scan3A_68 = scf.for %scan3A_150 = %scan3A_64 to %scan3A_66 step %scan3A_67 iter_args(%scan3A_151 = %scan3A_63) -> (i32)  : i32 {
      %sub3A_152 = arith.constant 13 : i32
      %sub3A_153 = arith.subi %sub3A_152, %scan3A_150 : i32
      %shift_left3A = arith.constant 1 : i32
      %shift_left3A_154 = arith.shli %shift_left3A, %sub3A_153 : i32
      %or3A_155 = arith.ori %scan3A_151, %shift_left3A_154 : i32
      %lt3A = vector.broadcast %or3A_155 : i32 to vector<10000x1xi32>
      %lt3A_156 = arith.cmpi slt, %iota3A, %lt3A : vector<10000x1xi32>
      %and3A_157 = arith.andi %eq3A_62, %lt3A_156 : vector<10000x1xi1>
      %convert_element_type3A_158 = arith.extui %and3A_157 : vector<10000x1xi1> to vector<10000x1xi32>
      %convert_element_type3A_159 = arith.sitofp %convert_element_type3A_158 : vector<10000x1xi32> to vector<10000x1xf32>
      %reduce_sum3A_160 = vector.shape_cast %convert_element_type3A_159 : vector<10000x1xf32> to vector<1x10000x1xf32>
      %reduce_sum3A_161 = arith.constant dense<0.000000e+00> : vector<1xf32>
      %reduce_sum3A_162 = vector.multi_reduction <add>, %reduce_sum3A_160, %reduce_sum3A_161 [1, 2] : vector<1x10000x1xf32> to vector<1xf32>
      %reduce_sum3A_163 = vector.shape_cast %reduce_sum3A_162 : vector<1xf32> to vector<1x1x1xf32>
      %reduce_sum3A_164 = vector.extract %reduce_sum3A_163[0, 0, 0] : f32 from vector<1x1x1xf32>
      %lt3A_165 = arith.cmpf olt, %reduce_sum3A_164, %sub3A_61 : f32
      %select_n3A_166 = arith.select %lt3A_165, %or3A_155, %scan3A_151 : i32
      scf.yield %select_n3A_166 : i32
    }
    %scan3A_69 = arith.constant 14 : i32
    %gt3A_70 = vector.broadcast %scan3A_51 : i32 to vector<10000x1xi32>
    %gt3A_71 = arith.cmpi ugt, %select_n3A, %gt3A_70 : vector<10000x1xi32>
    %le3A = vector.broadcast %scan3A_68 : i32 to vector<10000x1xi32>
    %le3A_72 = arith.cmpi sle, %iota3A, %le3A : vector<10000x1xi32>
    %and3A_73 = arith.andi %eq3A_62, %le3A_72 : vector<10000x1xi1>
    %gt3A_74 = arith.constant 0.000000e+00 : f32
    %gt3A_75 = arith.cmpf ogt, %sub3A_61, %gt3A_74 : f32
    %and3A_76 = vector.broadcast %gt3A_75 : i1 to vector<10000x1xi1>
    %and3A_77 = arith.andi %and3A_73, %and3A_76 : vector<10000x1xi1>
    %or3A_78 = arith.ori %gt3A_71, %and3A_77 : vector<10000x1xi1>
    %convert_element_type3A_79 = arith.extui %or3A_78 : vector<10000x1xi1> to vector<10000x1xi32>
    %convert_element_type3A_80 = arith.sitofp %convert_element_type3A_79 : vector<10000x1xi32> to vector<10000x1xf32>
    %get3A_81 = arith.constant 0 : index
    %get3A_82 = arith.constant 0 : index
    %get3A_83 = vector.load %arg0[%get3A_81, %get3A_82] : memref<10000x64xf32, #tpu.memory_space<vmem>>, vector<10000x64xf32>
    %mul3A_84 = vector.broadcast %logistic3A_26 : vector<10000x1xf32> to vector<10000x64xf32>
    %mul3A_85 = arith.mulf %get3A_83, %mul3A_84 : vector<10000x64xf32>
    %mul3A_86 = vector.broadcast %convert_element_type3A_80 : vector<10000x1xf32> to vector<10000x64xf32>
    %mul3A_87 = arith.mulf %mul3A_86, %mul3A_85 : vector<10000x64xf32>
    %reduce_sum3A_88 = arith.constant dense<0.000000e+00> : vector<64xf32>
    %reduce_sum3A_89 = vector.multi_reduction <add>, %mul3A_87, %reduce_sum3A_88 [0] : vector<10000x64xf32> to vector<64xf32>
    %broadcast_in_dim3A = vector.shape_cast %reduce_sum3A_89 : vector<64xf32> to vector<1x64xf32>
    %div3A_90 = arith.constant 1.000000e+02 : f32
    %div3A_91 = vector.broadcast %div3A_90 : f32 to vector<1x64xf32>
    %div3A_92 = arith.divf %broadcast_in_dim3A, %div3A_91 : vector<1x64xf32>
    %get3A_93 = arith.constant 0 : index
    %get3A_94 = arith.constant 0 : index
    %get3A_95 = vector.load %arg2[%get3A_93, %get3A_94] : memref<1x64xf32, #tpu.memory_space<vmem>>, vector<1x64xf32>
    %concatenate3A = tpu.concatenate %div3A_92, %get3A_95 in 1 : vector<1x64xf32>, vector<1x64xf32> -> vector<1x128xf32>
    %reduce_sum3A_96 = vector.shape_cast %concatenate3A : vector<1x128xf32> to vector<1x1x128xf32>
    %reduce_sum3A_97 = arith.constant dense<0.000000e+00> : vector<1xf32>
    %reduce_sum3A_98 = vector.multi_reduction <add>, %reduce_sum3A_96, %reduce_sum3A_97 [1, 2] : vector<1x1x128xf32> to vector<1xf32>
    %reduce_sum3A_99 = vector.shape_cast %reduce_sum3A_98 : vector<1xf32> to vector<1x1x1xf32>
    %reduce_sum3A_100 = vector.extract %reduce_sum3A_99[0, 0, 0] : f32 from vector<1x1x1xf32>
    %div3A_101 = arith.constant 1.280000e+02 : f32
    %div3A_102 = arith.divf %reduce_sum3A_100, %div3A_101 : f32
    %sub3A_103 = vector.broadcast %div3A_102 : f32 to vector<1x128xf32>
    %sub3A_104 = arith.subf %concatenate3A, %sub3A_103 : vector<1x128xf32>
    %integer_pow3A_105 = arith.mulf %sub3A_104, %sub3A_104 : vector<1x128xf32>
    %reduce_sum3A_106 = vector.shape_cast %integer_pow3A_105 : vector<1x128xf32> to vector<1x1x128xf32>
    %reduce_sum3A_107 = arith.constant dense<0.000000e+00> : vector<1xf32>
    %reduce_sum3A_108 = vector.multi_reduction <add>, %reduce_sum3A_106, %reduce_sum3A_107 [1, 2] : vector<1x1x128xf32> to vector<1xf32>
    %reduce_sum3A_109 = vector.shape_cast %reduce_sum3A_108 : vector<1xf32> to vector<1x1x1xf32>
    %reduce_sum3A_110 = vector.extract %reduce_sum3A_109[0, 0, 0] : f32 from vector<1x1x1xf32>
    %div3A_111 = arith.constant 1.280000e+02 : f32
    %div3A_112 = arith.divf %reduce_sum3A_110, %div3A_111 : f32
    %sub3A_113 = vector.broadcast %div3A_102 : f32 to vector<1x128xf32>
    %sub3A_114 = arith.subf %concatenate3A, %sub3A_113 : vector<1x128xf32>
    %add3A_115 = arith.constant 9.99999974E-6 : f32
    %add3A_116 = arith.addf %div3A_112, %add3A_115 : f32
    %sqrt3A_117 = math.sqrt %add3A_116 : f32
    %div3A_118 = vector.broadcast %sqrt3A_117 : f32 to vector<1x128xf32>
    %div3A_119 = arith.divf %sub3A_114, %div3A_118 : vector<1x128xf32>
    %get3A_120 = arith.constant 0 : index
    %get3A_121 = arith.constant 0 : index
    %get3A_122 = vector.load %arg3[%get3A_120, %get3A_121] : memref<1x128xf32, #tpu.memory_space<vmem>>, vector<1x128xf32>
    %mul3A_123 = arith.mulf %div3A_119, %get3A_122 : vector<1x128xf32>
    %get3A_124 = arith.constant 0 : index
    %get3A_125 = arith.constant 0 : index
    %get3A_126 = vector.load %arg4[%get3A_124, %get3A_125] : memref<1x128xf32, #tpu.memory_space<vmem>>, vector<1x128xf32>
    %add3A_127 = arith.addf %mul3A_123, %get3A_126 : vector<1x128xf32>
    %get3A_128 = arith.constant 0 : index
    %get3A_129 = arith.constant 0 : index
    %get3A_130 = vector.load %arg5[%get3A_128, %get3A_129] : memref<128x64xf32, #tpu.memory_space<vmem>>, vector<128x64xf32>
    %dot_general3A = arith.constant dense<0.000000e+00> : vector<1x64xf32>
    %dot_general3A_131 = tpu.matmul %add3A_127, %get3A_130, %dot_general3A {dimension_numbers = #tpu.dot_dimension_numbers<[1], [0], [0], [1], [0, 0, 1, 1], [], []>, transpose_lhs_hint = false} : vector<1x128xf32>, vector<128x64xf32>, vector<1x64xf32> -> vector<1x64xf32>
    %get3A_132 = arith.constant 0 : index
    %get3A_133 = arith.constant 0 : index
    %get3A_134 = vector.load %arg6[%get3A_132, %get3A_133] : memref<1x64xf32, #tpu.memory_space<vmem>>, vector<1x64xf32>
    %add3A_135 = arith.addf %dot_general3A_131, %get3A_134 : vector<1x64xf32>
    %max3A = arith.constant 0.000000e+00 : f32
    %max3A_136 = vector.broadcast %max3A : f32 to vector<1x64xf32>
    %max3A_137 = arith.maximumf %add3A_135, %max3A_136 : vector<1x64xf32>
    %get3A_138 = arith.constant 0 : index
    %get3A_139 = arith.constant 0 : index
    %get3A_140 = vector.load %arg7[%get3A_138, %get3A_139] : memref<64x1xf32, #tpu.memory_space<vmem>>, vector<64x1xf32>
    %dot_general3A_141 = arith.constant dense<0.000000e+00> : vector<1x1xf32>
    %dot_general3A_142 = tpu.matmul %max3A_137, %get3A_140, %dot_general3A_141 {dimension_numbers = #tpu.dot_dimension_numbers<[1], [0], [0], [1], [0, 0, 1, 1], [], []>, transpose_lhs_hint = false} : vector<1x64xf32>, vector<64x1xf32>, vector<1x1xf32> -> vector<1x1xf32>
    %get3A_143 = arith.constant 0 : index
    %get3A_144 = arith.constant 0 : index
    %get3A_145 = vector.load %arg8[%get3A_143, %get3A_144] : memref<1x1xf32, #tpu.memory_space<vmem>>, vector<1x1xf32>
    %add3A_146 = arith.addf %dot_general3A_142, %get3A_145 : vector<1x1xf32>
    %swap3A_147 = arith.constant 0 : index
    %swap3A_148 = arith.constant 0 : index
    %swap3A_149 = vector.load %arg11[%swap3A_147, %swap3A_148] : memref<1x1xf32, #tpu.memory_space<vmem>>, vector<1x1xf32>
    tpu.vector_store %arg11[%swap3A_147, %swap3A_148], %add3A_146 {strides = array<i32>} : memref<1x1xf32, #tpu.memory_space<vmem>>, vector<1x1xf32>,
    return
  }
}

</mosaic_0001>

<sc_bundles>
// kernel: kernel.11.cloned.1.call-start
scs
__scs_entry_jumppad:
0x0: {  	(pc) =	sbr.rel $0x88, $3  }
0x1: {  	(tag) =	ssettag $0x0;
	lr =	simm.s32 $0x1  }
0x2: {  	[smem:$0x3F7C] =	sst lr;
	_ =	strace $0xD0000000  }
0x3: {  	_ = 	snop  }
0x4: {  	_ = 	snop  }
0x5: {  	_ = 	snop  }
0x6: {  	_ = 	snop  }
0x7: {  	_ = 	snop  }
__scs_overlays_trampoline_lowered:
0x8: {  	[smem:$0x3F8B] =	sst s0  }
0x9: {  	[smem:$0x3F8C] =	sst s1  }
0xa: {  	[smem:$0x3F8D] =	sst s2  }
0xb: {  	[smem:$0x3F8E] =	sst s3  }
0xc: {  	[smem:$0x3F8F] =	sst s4  }
0xd: {  	[smem:$0x3F90] =	sst s5  }
0xe: {  	[smem:$0x3F91] =	sst s6  }
0xf: {  	[smem:$0x3F92] =	sst s7  }
0x10: {  	[smem:$0x3F93] =	sst s8  }
0x11: {  	[smem:$0x3F94] =	sst s9;
	s0 =	simm.s32 @!p0 $0x0  }
0x12: {  	s1 =	sld [smem:$0x3F7A];
	s0 =	simm.s32 @p0 $0x1  }
0x13: {  	[smem:$0x3F95] =	sst s0;
	s0 =	simm.s32 @!p1 $0x0  }
0x14: {  	s2 =	sld [smem:$0x3F79];
	s0 =	simm.s32 @p1 $0x1  }
0x15: {  	[smem:$0x3F96] =	sst s0;
	s0 =	simm.s32 @!p2 $0x0  }
0x16: {  	s3 =	sld [smem:$0x3FDB];
	s0 =	simm.s32 @p2 $0x1  }
0x17: {  	s4 =	simm.s32 $0x1BF5;
	[smem:$0x3F98] =	sst s0  }
0x18: {  	s0 =	sld [smem:$0x3F7B];
	_ =	swait.ge [sflag:s4], $0x0  }
0x19: {  	s7 =	sld [smem:$0x3F7C]  }
0x1a: {  	s8 =	sadd.s32 $0xFFFFE003, lr  }
0x1b: {  	s9 =	sadd.s32 $0xFFFFFEF7, lr;
	s5 =	simm.s32 $0xFFFFFFFF;
	p2 =	slt.u32 s8, $0xFFFFF086  }
0x1c: {  	p1 =	slt.u32 s9, $0xF7A;
	s5 =	simm.s32 @!p2 $0x0  }
0x1d: {  	s5 =	simm.s32 @p1 $0x1;
	p0 =	seq.s32 s7, s2  }
0x1e: {  	s7 =	smul.u32 @!p0 $0xF7A, s2;
	p2 =	seq.s32 @!p0 s5, $0x0  }
0x1f: {  	s9 =	smul.u32 $0xF7A, s1;
	s8 =	simm.s32 @!p0 $0x1BF5;
	p2 =	por !p2, p0  }
0x20: {  	[sflag:s8] =	ssyncset.s32 @!p0 $0xFFFFF086;
	s6 =	sadd.s32 @!p0 s3, s7;
	s7 =	simm.s32 @!p0 $0x108  }
0x21: {  	s3 =	sadd.s32 s3, s9;
	s6 =	sadd.s32 @!p0 $0x88, s6;
	s7 =	simm.s32 @p2 $0x1082  }
0x22: {  	[simem:s7], [sflag:s8] =	dma.local @!p0 [hbm:s6], $0xF7A  }
0x23: {  	s9 =	sor.u32 $0xD0000000, s2;
	s6 =	simm.s32 $0x108;
	_ =	swait.ge @!p0 [sflag:s8], $0x0  }
0x24: {  	s3 =	sadd.s32 $0x88, s3;
	s6 =	simm.s32 @!p1 $0x1082;
	[sflag:s4] =	ssyncset.s32 $0xFFFFF086  }
0x25: {  	[simem:s6], [sflag:s4] =	dma.local [hbm:s3], $0xF7A  }
0x26: {  	[smem:$0x3F7C] =	sst s1;
	(tag) =	ssettag s2;
	_ =	strace s9  }
0x27: {  	s1 =	sld [smem:$0x3F8C]  }
0x28: {  	s2 =	sld [smem:$0x3F8D]  }
0x29: {  	s4 =	sld [smem:$0x3F8F]  }
0x2a: {  	p0 =	seq.s32 s5, $0x0;
	s5 =	sld [smem:$0x3F90]  }
0x2b: {  	s6 =	sld [smem:$0x3F91]  }
0x2c: {  	s7 =	sld [smem:$0x3F92]  }
0x2d: {  	s3 =	simm.s32 $0x108;
	s8 =	sld [smem:$0x3F93]  }
0x2e: {  	s3 =	simm.s32 @!p0 $0x1082;
	s9 =	sld [smem:$0x3F94]  }
0x2f: {  	lr =	sadd.s32 s0, s3;
	s0 =	sld [smem:$0x3F8B]  }
0x30: {  	s3 =	sld [smem:$0x3F8E]  }
0x31: {  	[smem:$0x3F97] =	sst s10  }
0x32: {  	s10 =	sld [smem:$0x3F95];
	_ =	sdelay $0x3  }
0x33: {  	p0 =	seq.s32 s10, $0x1;
	s10 =	sld [smem:$0x3F97];
	_ =	sdelay $0x3  }
0x34: {  	[smem:$0x3F97] =	sst s10  }
0x35: {  	s10 =	sld [smem:$0x3F96];
	_ =	sdelay $0x3  }
0x36: {  	p1 =	seq.s32 s10, $0x1;
	s10 =	sld [smem:$0x3F97];
	_ =	sdelay $0x3  }
0x37: {  	[smem:$0x3F97] =	sst s10  }
0x38: {  	s10 =	sld [smem:$0x3F98]  }
0x39: {  	_ = 	snop;
	(pc) =	sbr.ind lr, $3  }
0x3a: {  	_ = 	snop  }
0x3b: {  	_ = 	snop  }
0x3c: {  	p2 =	seq.s32 s10, $0x1;
	s10 =	sld [smem:$0x3F97]  }
0x3d: {  	_ =	shalt  }
0x3e: {  	_ =	shalt  }
0x3f: {  	_ =	shalt  }
0x40: {  	_ =	shalt  }
0x41: {  	_ =	shalt  }
0x42: {  	_ =	shalt  }
0x43: {  	_ =	shalt  }
0x44: {  	_ =	shalt  }
0x45: {  	_ =	shalt  }
0x46: {  	_ =	shalt  }
0x47: {  	_ =	shalt  }
0x48: {  	_ =	shalt  }
0x49: {  	_ =	shalt  }
0x4a: {  	_ =	shalt  }
0x4b: {  	_ =	shalt  }
0x4c: {  	_ =	shalt  }
0x4d: {  	_ =	shalt  }
0x4e: {  	_ =	shalt  }
0x4f: {  	_ =	shalt  }
0x50: {  	_ =	shalt  }
0x51: {  	_ =	shalt  }
0x52: {  	_ =	shalt  }
0x53: {  	_ =	shalt  }
0x54: {  	_ =	shalt  }
0x55: {  	_ =	shalt  }
0x56: {  	_ =	shalt  }
0x57: {  	_ =	shalt  }
0x58: {  	_ =	shalt  }
0x59: {  	_ =	shalt  }
0x5a: {  	_ =	shalt  }
0x5b: {  	_ =	shalt  }
0x5c: {  	_ =	shalt  }
0x5d: {  	_ =	shalt  }
0x5e: {  	_ =	shalt  }
0x5f: {  	_ =	shalt  }
0x60: {  	_ =	shalt  }
0x61: {  	_ =	shalt  }
0x62: {  	_ =	shalt  }
0x63: {  	_ =	shalt  }
0x64: {  	_ =	shalt  }
0x65: {  	_ =	shalt  }
0x66: {  	_ =	shalt  }
0x67: {  	_ =	shalt  }
0x68: {  	_ =	shalt  }
0x69: {  	_ =	shalt  }
0x6a: {  	_ =	shalt  }
0x6b: {  	_ =	shalt  }
0x6c: {  	_ =	shalt  }
0x6d: {  	_ =	shalt  }
0x6e: {  	_ =	shalt  }
0x6f: {  	_ =	shalt  }
0x70: {  	_ =	shalt  }
0x71: {  	_ =	shalt  }
0x72: {  	_ =	shalt  }
0x73: {  	_ =	shalt  }
0x74: {  	_ =	shalt  }
0x75: {  	_ =	shalt  }
0x76: {  	_ =	shalt  }
0x77: {  	_ =	shalt  }
0x78: {  	_ =	shalt  }
0x79: {  	_ =	shalt  }
0x7a: {  	_ =	shalt  }
0x7b: {  	_ =	shalt  }
0x7c: {  	_ =	shalt  }
0x7d: {  	_ =	shalt  }
0x7e: {  	_ =	shalt  }
0x7f: {  	_ =	shalt  }
0x80: {  	_ =	shalt  }
0x81: {  	_ =	shalt  }
0x82: {  	_ =	shalt  }
0x83: {  	_ =	shalt  }
0x84: {  	_ =	shalt  }
0x85: {  	_ =	shalt  }
0x86: {  	_ =	shalt  }
0x87: {  	_ =	shalt  }
.Lfunc_end0:
.L_simem_size_0:
called_computation.1_lowered:
.L_overlay_start_0:
0x88: {  	s2 =	sld [smem:$0x3FD9]  }
0x89: {  	s3 =	sld [smem:$0x3FFE];
	_ =	sdelay $0x1  }
0x8a: {  	s1 =	srdreg.scid  }
0x8b: {  	s0 =	sand.u32 $0x1, s1  }
0x8c: {  	s17 =	sshll.u32 s0, $0xA;
	s2 =	sadd.s32 s3, s2  }
0x8d: {  	s2 =	sadd.s32 s2, s17  }
0x8e: {  	[smem:$0x3FA3] =	sst s2  }
0x8f: {  	_ = 	snop  }
0x90: {  	s2 =	sld [smem:$0x3FC7];
	(tm) =	ssettm $0x1  }
0x91: {  	s18 =	sld [smem:$0x3FFB];
	_ =	sdelay $0x3  }
0x92: {  	_ =	strace s18  }
0x93: {  	s3 =	sld [smem:$0x3FFC];
	_ =	sdelay $0x3  }
0x94: {  	_ =	strace s3  }
0x95: {  	s3 =	sld [smem:$0x3FFD];
	_ =	sdelay $0x3  }
0x96: {  	_ =	strace s3  }
0x97: {  	_ =	strace $0x8FFFFFFF  }
0x98: {  	s19 =	sld [smem:$0x3FDB];
	_ =	sdelay $0x1  }
0x99: {  	s4 =	simm.s32 $_scs_section_size  }
0x9a: {  	s5 =	simm.s32 $_size__tile_overlayer_lowered;
	s6 =	simm.s32 $_tile_overlayer_lowered  }
0x9b: {  	s22 =	simm.s32 $0x1BFF;
	s21 =	sshll.u32 s6, $0x1;
	s3 =	sadd.s32 s4, s19  }
0x9c: {  	s7 =	simm.s32 $0x0;
	s20 =	sshll.u32 s5, $0x1;
	s5 =	sadd.s32 s21, s3  }
0x9d: {  	[timem:s7], [sflag:s22] =	dma.local [hbm:s5], s20  }
0x9e: {  	_ =	swait.ge [sflag:s22], s20  }
0x9f: {  	s4 =	ssub.s32 $0x0, s20;
	[sflag:s22] =	ssyncset.done $0x0  }
0xa0: {  	[sflag:s22] =	ssyncadd.s32 s4;
	_ =	sdelay $0x1  }
0xa1: {  	s23 =	simm.s32 $0x1B8B  }
0xa2: {  	_ =	swait.ge [sflag:s23], $0x1  }
0xa3: {  	[sflag:s23] =	ssyncset.done $0x0  }
0xa4: {  	s25 =	simm.s32 $0x1B8E;
	s24 =	sld [smem:$0x3FFE];
	[sflag:s23] =	ssyncadd.s32 $0xFFFFFFFF  }
0xa5: {  	s26 =	simm.s32 $execute0_lowered;
	[smem:$0x3FD2] =	sst s25  }
0xa6: {  	s5 =	sshll.u32 s26, $0x1;
	_ =	strace $0x80000049;
	[dreg:$0x1] =	wrdreg $0xFFFFFFFF  }
0xa7: {  	s28 =	simm.s32 $_size_execute0_lowered;
	s3 =	sadd.s32 s3, s5;
	[dreg:$0x0] =	wrdreg $0x0  }
0xa8: {  	s5 =	sshll.u32 s28, $0x1;
	[dreg:$0x2] =	wrdreg s3  }
0xa9: {  	[dreg:$0x3] =	wrdreg s5  }
0xaa: {  	[dreg:$0x4] =	wrdreg $0xC0  }
0xab: {  	_ =	task [dreg:s7], $0x5FFFF  }
0xac: {  	[dreg:$0x1] =	wrdreg $0xFFFFFFFF  }
0xad: {  	[dreg:$0x0] =	wrdreg $0x60  }
0xae: {  	[dreg:$0x2] =	wrdreg s24  }
0xaf: {  	[dreg:$0x3] =	wrdreg s2  }
0xb0: {  	[dreg:$0x4] =	wrdreg $0x0  }
0xb1: {  	[dreg:$0x5] =	wrdreg $0x9  }
0xb2: {  	_ =	task.clear_ibuf [dreg:s7], $0x6FFFF;
	_ =	strace $0x90000049  }
0xb3: {  	s29 =	simm.s32 $0x9;
	_ =	strace $0x8000004B  }
0xb4: {  	_ =	swait.ge [sflag:s29], $0x1  }
0xb5: {  	[sflag:s29] =	ssyncadd.s32 $0xFFFFFFFF  }
0xb6: {  	_ =	strace $0x9000004B  }
0xb7: {  	_ =	sfence  }
0xb8: {  	s30 =	sld [smem:$0x0];
	_ =	sdelay $0x2  }
0xb9: {  	s31 =	sshll.u32 s1, $0xD;
	s1 =	sshrl.u32 s1, $0x2  }
0xba: {  	s3 =	sand.u32 $0x4000, s31;
	s1 =	sadd.s32 s1, s30  }
0xbb: {  	s0 =	sor.u32 s3, s0;
	s1 =	sshll.u32 s1, $0x11  }
0xbc: {  	s0 =	sor.u32 s1, s0  }
0xbd: {  	s0 =	sadd.s32 $0x8F2B, s0  }
0xbe: {  	[sflag:s0] =	ssyncadd.remote.s32 $0x1  }
0xbf: {  	_ =	sfence.sel $0xFFFF  }
0xc0: {  	[dreg:$0x0] =	wrdreg $0xFFFFFFFF;
	(pc) =	sbr.abs _section_cstart, $3  }
0xc1: {  	[dreg:$0x1] =	wrdreg $0xFFFFFFFF  }
0xc2: {  	_ =	task.clear_ibuf [dreg:s7], $0x2FFFF;
	_ =	strace $0x9FFFFFFF  }
0xc3: {  	(tm) =	ssettm $0x7FFFFFFF  }
tec
execute0_lowered:
.L_overlay_start_1:
0x0: {  	(tag) =	ssettag $0x1  }
0x1: {  	s0 =	rddreg [dreg:$0x0]  }
0x2: {  	s1 =	rddreg [dreg:$0x1]  }
0x3: {  	s2 =	rddreg [dreg:$0x2]  }
0x4: {  	s3 =	simm.s32 $0x0;
	s16 =	stileid.u32;
	s4 =	srdreg.scid  }
0x5: {  	s20 =	simm.s32 $0x2;
	s22 =	simm.s32 $0x13880;
	s23 =	simm.s32 $0x13900  }
0x6: {  	s24 =	simm.s32 $0x50;
	s25 =	simm.s32 $0x13A00;
	s28 =	simm.s32 $0x13980  }
0x7: {  	s29 =	simm.s32 $0x0;
	[smem:$0x7FF] =	sst s3;
	s5 =	sadd.s32 $0x41400, s0  }
0x8: {  	s6 =	sadd.s32 $0x68600, s0;
	s7 =	sadd.s32 $0x6600, s0;
	s17 =	smul.u32 $0x2700, s16  }
0x9: {  	s4 =	sand.u32 $0x1, s4;
	s8 =	sadd.s32 $0x10400, s0;
	s12 =	smul.u32 $0x4E000, s16  }
0xa: {  	s9 =	sadd.s32 $0xDE000, s0;
	s10 =	sadd.s32 $0x105200, s0;
	s30 =	sshll.u32 s16, $0x6  }
0xb: {  	s15 =	smul.u32 $0x4E20, s16;
	p1 =	sne.s32 s16, $0xF;
	p3 =	seq.s32 s16, $0xF  }
0xc: {  	_ =	strace $0x8000004A;
	s11 =	ssub.s32 $0x2, s4;
	p0 =	seq.s32 s4, $0x1  }
0xd: {  	p2 =	sne.s32 s4, $0x0;
	s13 =	sadd.s32 s17, s0;
	s14 =	sshrl.u32 s11, $0x1  }
.Ltmp0:
0xe: {  	s26 =	sshrl.u32 s12, $0x2;
	s12 =	sor.u32 $0x1C02, s30;
	(pc) =	sbr.rel .LBB2_1-.Ltmp0, $4  }
0xf: {  	s31 =	sadd.s32 s10, s17;
	s17 =	sadd.s32 s9, s17;
	s18 =	ssub.s32 s11, s14  }
0x10: {  	s19 =	sadd.s32 s26, s2;
	s11 =	sadd.s32 $0x1A200, s13;
	s13 =	sadd.s32 $0x138000, s2  }
0x11: {  	s14 =	sadd.s32 $0x41200, s0;
	[dreg:$0x4] =	wrdreg s31;
	s26 =	simm.s32 $0x1  }
0x12: {  	s18 =	smax.u32 s18, $0x1;
	s19 =	sshrl.u32 s19, $0x3;
	s21 =	sshrl.u32 @!p1 s13, $0x3  }
.LBB2_11:
0x13: {  	s0 =	sadd.s32 $0x27000, s0;
	s4 =	sshrl.u32 s13, $0x3  }
0x14: {  	[hbm:s0], [sflag:s12] =	dma.local [spmem:s4], $0x100  }
0x15: {  	_ =	swait.ge [sflag:s20], $0x100  }
0x16: {  	[sflag:s20] =	ssyncset.done $0x0  }
0x17: {  	[sflag:s20] =	ssyncadd.s32 $0xFFFFFF00  }
.LBB2_12:
0x18: {  	s29 =	sadd.s32 $0x1, s29  }
0x19: {  	p4 =	sne.s32 s29, s18  }
.Ltmp1:
0x1a: {  	_ = 	snop;
	(pc) =	sbr.rel @!p4 .LBB2_13-.Ltmp1, $1  }
0x1b: {  	_ =	sdelay $0x3  }
.LBB2_1:
0x1c: {  	[spmem:s19], [sflag:s12] =	dma.local [hbm:s11], $0x2700  }
0x1d: {  	_ =	swait.ge [sflag:s20], $0x2700  }
0x1e: {  	[sflag:s20] =	ssyncset.done $0x0  }
0x1f: {  	s0 =	simm.s32 @!p1 $0x2;
	[sflag:s20] =	ssyncadd.s32 $0xFFFFD900  }
0x20: {  	[spmem:s21], [sflag:s12] =	dma.local @!p1 [hbm:s14], $0x100  }
.Ltmp2:
0x21: {  	_ =	swait.ge @!p1 [sflag:s0], $0x100;
	(pc) =	sbr.rel .LBB2_2-.Ltmp2, $4  }
0x22: {  	[sflag:s0] =	ssyncset.done @!p1 $0x0  }
0x23: {  	[sflag:s0] =	ssyncadd.s32 @!p1 $0xFFFFFF00  }
0x24: {  	[bflag:$0x0] =	sbarrier.arrive $0xFFFF  }
0x25: {  	s30 =	simm.s32 $0x0  }
.LBB2_6:
0x26: {  	[tilespmem:s25], [sflag:$0x1] =	stream.indirect.gather [hbm4b:s6+s24], $0x80, s22, s24, $0xb8;
	[tilespmem:$0x16200] =	vst v63  }
0x27: {  	_ =	swait.ge [sflag:s26], $0x2800  }
0x28: {  	[sflag:s26] =	ssyncset.done $0x0  }
0x29: {  	[sflag:s26] =	ssyncadd.s32 $0xFFFFD800  }
.LBB2_7:
0x2a: {  	s30 =	sadd.s32 $0x1, s30  }
0x2b: {  	p4 =	sne.s32 s30, $0xFA  }
.Ltmp3:
0x2c: {  	_ = 	snop;
	(pc) =	sbr.rel @!p4 .LBB2_8-.Ltmp3, $4  }
0x2d: {  	[spmem:s2] =	stream.indirect.scatter.add.f32 [tilespmem:s25], [sflag:$0x2], $0x80, s23, s24, $0xb8;
	[tilespmem:$0x16200] =	vst v63  }
0x2e: {  	_ =	swait.ge [sflag:s20], $0x2800  }
0x2f: {  	[sflag:s20] =	ssyncset.done $0x0  }
0x30: {  	[sflag:s20] =	ssyncadd.s32 $0xFFFFD800  }
.LBB2_2:
0x31: {  	s0 =	smul.u32 $0x50, s30;
	_ =	sdelay $0x1  }
0x32: {  	s0 =	sadd.s32 s15, s0  }
0x33: {  	s0 =	sshrl.u32 s0, $0x3  }
0x34: {  	s4 =	sadd.s32 s7, s0  }
0x35: {  	[tilespmem:s22], [sflag:$0x2] =	stream.linear.gather [hbm4b:s4+s3], $0x50, $0x38;
	[tilespmem:$0x16200] =	vst v63  }
0x36: {  	_ =	swait.ge [sflag:s20], $0x50  }
0x37: {  	[sflag:s20] =	ssyncset.done $0x0  }
.Ltmp4:
0x38: {  	s31 =	sadd.s32 s8, s0;
	[sflag:s20] =	ssyncadd.s32 $0xFFFFFFB0;
	(pc) =	sbr.rel @p0 .LBB2_6-.Ltmp4, $4  }
0x39: {  	[tilespmem:s23], [sflag:$0x2] =	stream.linear.gather [hbm4b:s31+s3], $0x50, $0x38;
	[tilespmem:$0x16200] =	vst v63  }
0x3a: {  	_ =	swait.ge [sflag:s20], $0x50  }
0x3b: {  	[sflag:s20] =	ssyncset.done $0x0  }
0x3c: {  	[sflag:s20] =	ssyncadd.s32 $0xFFFFFFB0  }
0x3d: {  	s0 =	sadd.s32 s1, s0;
	s4 =	simm.s32 $0x0  }
0x3e: {  	[tilespmem:s28], [sflag:$0x2] =	stream.linear.gather [hbm4b:s0+s4], $0x50, $0x38;
	[tilespmem:$0x16200] =	vst v63  }
0x3f: {  	_ =	swait.ge [sflag:s20], $0x50  }
0x40: {  	[sflag:s20] =	ssyncset.done $0x0  }
0x41: {  	[sflag:s20] =	ssyncadd.s32 $0xFFFFFFB0  }
0x42: {  	[tilespmem:s25], [sflag:$0x1] =	stream.indirect.gather [hbm4b:s5+s24], $0x80, s22, s24, $0xb8;
	[tilespmem:$0x16200] =	vst v63  }
0x43: {  	_ =	swait.ge [sflag:s26], $0x2800  }
0x44: {  	v0 =	vmov s4;
	[sflag:s26] =	ssyncset.done $0x0  }
0x45: {  	s31 =	simm.s32 $0x13A40;
	[sflag:s26] =	ssyncadd.s32 $0xFFFFD800  }
0x46: {  	v4 =	vld [tilespmem:s31+$0x30]  }
0x47: {  	v7 =	vld [tilespmem:s31+$0x10]  }
0x48: {  	v5 =	vld [tilespmem:s31+$0xFFFFFFC0]  }
0x49: {  	v1 =	vld.idx.msk [tilespmem:v0+s28+$0x0], $0xffff  }
0x4a: {  	v9 =	vld [tilespmem:s31+$0xFFFFFFE0]  }
0x4b: {  	v0 =	vld [tilespmem:s31+$0xFFFFFFF0]  }
0x4c: {  	v2 =	vld [tilespmem:s31+$0x20]  }
0x4d: {  	v3 =	vld [tilespmem:s31+$0xFFFFFFD0]  }
0x4e: {  	v8 =	vmul.f32 v4, v1;
	v4 =	vld [tilespmem:s31+$0x0]  }
0x4f: {  	v6 =	vmul.f32 v5, v1  }
0x50: {  	s0 =	simm.s32 $0x1;
	s4 =	simm.s32 $0x13A40;
	v5 =	vmul.f32 v9, v1;
	v7 =	vmul.f32 v7, v1  }
.LBB2_4:
0x51: {  	p4 =	seq.s32 s0, $0x4F  }
0x52: {  	v3 =	vmul.f32 v3, v1;
	v2 =	vmul.f32 v2, v1;
	[tilespmem:s31+$0x30] =	vst v8;
	s4 =	sadd.s32 $0x80, s4;
	s16 =	smov.u32 s0;
	s0 =	sadd.s32 $0x1, s0  }
0x53: {  	[tilespmem:s31+$0xFFFFFFC0] =	vst v6;
	v6 =	vmul.f32 v0, v1;
	v1 =	vmul.f32 v4, v1  }
0x54: {  	[tilespmem:s31+$0x10] =	vst v7  }
0x55: {  	v4 =	vmov s16;
	[tilespmem:s31+$0xFFFFFFE0] =	vst v5  }
0x56: {  	v0 =	vld [tilespmem:s4+$0xFFFFFFF0];
	[tilespmem:s31+$0xFFFFFFF0] =	vst v6  }
0x57: {  	v5 =	vld [tilespmem:s4+$0x30];
	[tilespmem:s31+$0x0] =	vst v1  }
0x58: {  	v7 =	vld [tilespmem:s4+$0x10];
	[tilespmem:s31+$0x20] =	vst v2  }
0x59: {  	v6 =	vld [tilespmem:s4+$0xFFFFFFC0];
	[tilespmem:s31+$0xFFFFFFD0] =	vst v3;
	s31 =	smov.u32 s4  }
0x5a: {  	v1 =	vld.idx.msk [tilespmem:v4+s28+$0x0], $0xffff  }
0x5b: {  	v9 =	vld [tilespmem:s4+$0xFFFFFFE0]  }
0x5c: {  	v2 =	vld [tilespmem:s4+$0x20]  }
.Ltmp5:
0x5d: {  	v3 =	vld [tilespmem:s4+$0xFFFFFFD0];
	(pc) =	sbr.rel @!p4 .LBB2_4-.Ltmp5, $3  }
0x5e: {  	v4 =	vld [tilespmem:s4+$0x0];
	_ =	sdelay $0x1  }
0x5f: {  	v6 =	vmul.f32 v6, v1;
	v8 =	vmul.f32 v5, v1  }
0x60: {  	v7 =	vmul.f32 v7, v1;
	v5 =	vmul.f32 v9, v1  }
0x61: {  	[tilespmem:s31+$0x30] =	vst v8  }
0x62: {  	[tilespmem:s31+$0xFFFFFFC0] =	vst v6  }
0x63: {  	v0 =	vmul.f32 v0, v1;
	[tilespmem:s31+$0x10] =	vst v7  }
.Ltmp6:
0x64: {  	v2 =	vmul.f32 v2, v1;
	[tilespmem:s31+$0xFFFFFFE0] =	vst v5;
	(pc) =	sbr.rel .LBB2_7-.Ltmp6, $4  }
0x65: {  	v63 =	vmul.f32 v3, v1;
	[tilespmem:s31+$0xFFFFFFF0] =	vst v0  }
0x66: {  	v4 =	vmul.f32 v4, v1;
	[tilespmem:s31+$0x20] =	vst v2  }
0x67: {  	[tilespmem:s31+$0xFFFFFFD0] =	vst v63  }
0x68: {  	[tilespmem:s31+$0x0] =	vst v4  }
.LBB2_8:
.Ltmp7:
0x69: {  	(pc) =	sbr.rel @p2 .LBB2_10-.Ltmp7, $2  }
0x6a: {  	_ =	sdelay $0x1  }
0x6b: {  	[bflag:$0x0] =	sbarrier.arrive $0xFFFF;
	_ =	sdelay $0x1  }
0x6c: {  	[hbm:s17], [sflag:s12] =	dma.local [spmem:s19], $0x2700  }
.Ltmp8:
0x6d: {  	_ = 	snop;
	(pc) =	sbr.rel @p3 .LBB2_11-.Ltmp8, $4  }
.Ltmp9:
0x6e: {  	_ = 	snop;
	(pc) =	sbr.rel @!p3 .LBB2_12-.Ltmp9, $4  }
0x6f: {  	_ =	swait.ge [sflag:s20], $0x2700  }
0x70: {  	[sflag:s20] =	ssyncset.done $0x0  }
0x71: {  	s0 =	smov.u32 s9;
	[sflag:s20] =	ssyncadd.s32 $0xFFFFD900  }
0x72: {  	_ = 	snop  }
.LBB2_10:
0x73: {  	s0 =	rddreg [dreg:$0x4]  }
0x74: {  	[hbm:s0], [sflag:s12] =	dma.local [spmem:s19], $0x2700  }
.Ltmp10:
0x75: {  	_ = 	snop;
	(pc) =	sbr.rel @p1 .LBB2_12-.Ltmp10, $4  }
.Ltmp11:
0x76: {  	_ = 	snop;
	(pc) =	sbr.rel @!p1 .LBB2_11-.Ltmp11, $4  }
0x77: {  	_ =	swait.ge [sflag:s20], $0x2700  }
0x78: {  	[sflag:s20] =	ssyncset.done $0x0  }
0x79: {  	s0 =	smov.u32 s10;
	[sflag:s20] =	ssyncadd.s32 $0xFFFFD900  }
0x7a: {  	_ = 	snop  }
.LBB2_13:
0x7b: {  	_ =	sfence.sel $0x180000  }
0x7c: {  	[bflag:$0x0] =	sbarrier.arrive $0xFFFF  }
0x7d: {  	_ =	strace $0x9000004A  }
0x7e: {  	s0 =	stileid.u32;
	[bflag:$0x2] =	sbarrier.arrive $0xFFFF  }
0x7f: {  	p0 =	sne.s32 s0, $0x0;
	s0 =	rddreg [dreg:$0x3]  }
0x80: {  	s0 =	sadd.s32 @!p0 $0x100000, s0  }
0x81: {  	[sflag:s0] =	ssyncadd.tile.s32 @!p0 $0x1;
	_ =	shalt  }
.Lfunc_end2:
_tile_overlayer_lowered:
.L_overlay_start_2:
0x82: {  	(tag) =	ssettag $0x2  }
0x83: {  	s0 =	rddreg [dreg:$0x0];
	s2 =	stileid.u32  }
0x84: {  	s1 =	rddreg [dreg:$0x1];
	p0 =	sne.s32 s2, $0x0  }
0x85: {  	s3 =	rddreg [dreg:$0x2];
	[bflag:$0x3] =	sbarrier.arrive $0xFFFF;
	s2 =	simm.s32 @!p0 $0x1C02  }
0x86: {  	[timem:s3], [sflag:s2] =	dma.local @!p0 [hbm:s0], s1  }
0x87: {  	s0 =	simm.s32 @!p0 $0x2  }
0x88: {  	_ =	swait.ge @!p0 [sflag:s0], s1  }
0x89: {  	s1 =	ssub.s32 @!p0 $0x0, s1;
	[sflag:s0] =	ssyncset.done @!p0 $0x0  }
0x8a: {  	[sflag:s0] =	ssyncadd.s32 @!p0 s1  }
0x8b: {  	[bflag:$0x3] =	sbarrier.arrive $0xFFFF  }
0x8c: {  	_ =	shalt  }

// kernel: kernel.8.cloned.1.call-start
scs
__scs_entry_jumppad:
0x0: {  	(pc) =	sbr.rel $0x88, $3  }
0x1: {  	(tag) =	ssettag $0x0;
	lr =	simm.s32 $0x1  }
0x2: {  	[smem:$0x3F7C] =	sst lr;
	_ =	strace $0xD0000000  }
0x3: {  	_ = 	snop  }
0x4: {  	_ = 	snop  }
0x5: {  	_ = 	snop  }
0x6: {  	_ = 	snop  }
0x7: {  	_ = 	snop  }
__scs_overlays_trampoline_lowered:
0x8: {  	[smem:$0x3F8B] =	sst s0  }
0x9: {  	[smem:$0x3F8C] =	sst s1  }
0xa: {  	[smem:$0x3F8D] =	sst s2  }
0xb: {  	[smem:$0x3F8E] =	sst s3  }
0xc: {  	[smem:$0x3F8F] =	sst s4  }
0xd: {  	[smem:$0x3F90] =	sst s5  }
0xe: {  	[smem:$0x3F91] =	sst s6  }
0xf: {  	[smem:$0x3F92] =	sst s7  }
0x10: {  	[smem:$0x3F93] =	sst s8  }
0x11: {  	[smem:$0x3F94] =	sst s9;
	s0 =	simm.s32 @!p0 $0x0  }
0x12: {  	s1 =	sld [smem:$0x3F7A];
	s0 =	simm.s32 @p0 $0x1  }
0x13: {  	[smem:$0x3F95] =	sst s0;
	s0 =	simm.s32 @!p1 $0x0  }
0x14: {  	s2 =	sld [smem:$0x3F79];
	s0 =	simm.s32 @p1 $0x1  }
0x15: {  	[smem:$0x3F96] =	sst s0;
	s0 =	simm.s32 @!p2 $0x0  }
0x16: {  	s3 =	sld [smem:$0x3FDB];
	s0 =	simm.s32 @p2 $0x1  }
0x17: {  	s4 =	simm.s32 $0x1BF5;
	[smem:$0x3F98] =	sst s0  }
0x18: {  	s0 =	sld [smem:$0x3F7B];
	_ =	swait.ge [sflag:s4], $0x0  }
0x19: {  	s7 =	sld [smem:$0x3F7C]  }
0x1a: {  	s8 =	sadd.s32 $0xFFFFE003, lr  }
0x1b: {  	s9 =	sadd.s32 $0xFFFFFEF7, lr;
	s5 =	simm.s32 $0xFFFFFFFF;
	p2 =	slt.u32 s8, $0xFFFFF086  }
0x1c: {  	p1 =	slt.u32 s9, $0xF7A;
	s5 =	simm.s32 @!p2 $0x0  }
0x1d: {  	s5 =	simm.s32 @p1 $0x1;
	p0 =	seq.s32 s7, s2  }
0x1e: {  	s7 =	smul.u32 @!p0 $0xF7A, s2;
	p2 =	seq.s32 @!p0 s5, $0x0  }
0x1f: {  	s9 =	smul.u32 $0xF7A, s1;
	s8 =	simm.s32 @!p0 $0x1BF5;
	p2 =	por !p2, p0  }
0x20: {  	[sflag:s8] =	ssyncset.s32 @!p0 $0xFFFFF086;
	s6 =	sadd.s32 @!p0 s3, s7;
	s7 =	simm.s32 @!p0 $0x108  }
0x21: {  	s3 =	sadd.s32 s3, s9;
	s6 =	sadd.s32 @!p0 $0x88, s6;
	s7 =	simm.s32 @p2 $0x1082  }
0x22: {  	[simem:s7], [sflag:s8] =	dma.local @!p0 [hbm:s6], $0xF7A  }
0x23: {  	s9 =	sor.u32 $0xD0000000, s2;
	s6 =	simm.s32 $0x108;
	_ =	swait.ge @!p0 [sflag:s8], $0x0  }
0x24: {  	s3 =	sadd.s32 $0x88, s3;
	s6 =	simm.s32 @!p1 $0x1082;
	[sflag:s4] =	ssyncset.s32 $0xFFFFF086  }
0x25: {  	[simem:s6], [sflag:s4] =	dma.local [hbm:s3], $0xF7A  }
0x26: {  	[smem:$0x3F7C] =	sst s1;
	(tag) =	ssettag s2;
	_ =	strace s9  }
0x27: {  	s1 =	sld [smem:$0x3F8C]  }
0x28: {  	s2 =	sld [smem:$0x3F8D]  }
0x29: {  	s4 =	sld [smem:$0x3F8F]  }
0x2a: {  	p0 =	seq.s32 s5, $0x0;
	s5 =	sld [smem:$0x3F90]  }
0x2b: {  	s6 =	sld [smem:$0x3F91]  }
0x2c: {  	s7 =	sld [smem:$0x3F92]  }
0x2d: {  	s3 =	simm.s32 $0x108;
	s8 =	sld [smem:$0x3F93]  }
0x2e: {  	s3 =	simm.s32 @!p0 $0x1082;
	s9 =	sld [smem:$0x3F94]  }
0x2f: {  	lr =	sadd.s32 s0, s3;
	s0 =	sld [smem:$0x3F8B]  }
0x30: {  	s3 =	sld [smem:$0x3F8E]  }
0x31: {  	[smem:$0x3F97] =	sst s10  }
0x32: {  	s10 =	sld [smem:$0x3F95];
	_ =	sdelay $0x3  }
0x33: {  	p0 =	seq.s32 s10, $0x1;
	s10 =	sld [smem:$0x3F97];
	_ =	sdelay $0x3  }
0x34: {  	[smem:$0x3F97] =	sst s10  }
0x35: {  	s10 =	sld [smem:$0x3F96];
	_ =	sdelay $0x3  }
0x36: {  	p1 =	seq.s32 s10, $0x1;
	s10 =	sld [smem:$0x3F97];
	_ =	sdelay $0x3  }
0x37: {  	[smem:$0x3F97] =	sst s10  }
0x38: {  	s10 =	sld [smem:$0x3F98]  }
0x39: {  	_ = 	snop;
	(pc) =	sbr.ind lr, $3  }
0x3a: {  	_ = 	snop  }
0x3b: {  	_ = 	snop  }
0x3c: {  	p2 =	seq.s32 s10, $0x1;
	s10 =	sld [smem:$0x3F97]  }
0x3d: {  	_ =	shalt  }
0x3e: {  	_ =	shalt  }
0x3f: {  	_ =	shalt  }
0x40: {  	_ =	shalt  }
0x41: {  	_ =	shalt  }
0x42: {  	_ =	shalt  }
0x43: {  	_ =	shalt  }
0x44: {  	_ =	shalt  }
0x45: {  	_ =	shalt  }
0x46: {  	_ =	shalt  }
0x47: {  	_ =	shalt  }
0x48: {  	_ =	shalt  }
0x49: {  	_ =	shalt  }
0x4a: {  	_ =	shalt  }
0x4b: {  	_ =	shalt  }
0x4c: {  	_ =	shalt  }
0x4d: {  	_ =	shalt  }
0x4e: {  	_ =	shalt  }
0x4f: {  	_ =	shalt  }
0x50: {  	_ =	shalt  }
0x51: {  	_ =	shalt  }
0x52: {  	_ =	shalt  }
0x53: {  	_ =	shalt  }
0x54: {  	_ =	shalt  }
0x55: {  	_ =	shalt  }
0x56: {  	_ =	shalt  }
0x57: {  	_ =	shalt  }
0x58: {  	_ =	shalt  }
0x59: {  	_ =	shalt  }
0x5a: {  	_ =	shalt  }
0x5b: {  	_ =	shalt  }
0x5c: {  	_ =	shalt  }
0x5d: {  	_ =	shalt  }
0x5e: {  	_ =	shalt  }
0x5f: {  	_ =	shalt  }
0x60: {  	_ =	shalt  }
0x61: {  	_ =	shalt  }
0x62: {  	_ =	shalt  }
0x63: {  	_ =	shalt  }
0x64: {  	_ =	shalt  }
0x65: {  	_ =	shalt  }
0x66: {  	_ =	shalt  }
0x67: {  	_ =	shalt  }
0x68: {  	_ =	shalt  }
0x69: {  	_ =	shalt  }
0x6a: {  	_ =	shalt  }
0x6b: {  	_ =	shalt  }
0x6c: {  	_ =	shalt  }
0x6d: {  	_ =	shalt  }
0x6e: {  	_ =	shalt  }
0x6f: {  	_ =	shalt  }
0x70: {  	_ =	shalt  }
0x71: {  	_ =	shalt  }
0x72: {  	_ =	shalt  }
0x73: {  	_ =	shalt  }
0x74: {  	_ =	shalt  }
0x75: {  	_ =	shalt  }
0x76: {  	_ =	shalt  }
0x77: {  	_ =	shalt  }
0x78: {  	_ =	shalt  }
0x79: {  	_ =	shalt  }
0x7a: {  	_ =	shalt  }
0x7b: {  	_ =	shalt  }
0x7c: {  	_ =	shalt  }
0x7d: {  	_ =	shalt  }
0x7e: {  	_ =	shalt  }
0x7f: {  	_ =	shalt  }
0x80: {  	_ =	shalt  }
0x81: {  	_ =	shalt  }
0x82: {  	_ =	shalt  }
0x83: {  	_ =	shalt  }
0x84: {  	_ =	shalt  }
0x85: {  	_ =	shalt  }
0x86: {  	_ =	shalt  }
0x87: {  	_ =	shalt  }
.Lfunc_end0:
.L_simem_size_0:
called_computation_lowered:
.L_overlay_start_0:
0x88: {  	s2 =	sld [smem:$0x3FD9]  }
0x89: {  	s3 =	sld [smem:$0x3FFE];
	_ =	sdelay $0x1  }
0x8a: {  	s1 =	srdreg.scid  }
0x8b: {  	s0 =	sand.u32 $0x1, s1  }
0x8c: {  	s16 =	sshll.u32 s0, $0xA;
	s2 =	sadd.s32 s3, s2  }
0x8d: {  	s2 =	sadd.s32 s2, s16  }
0x8e: {  	[smem:$0x3FA3] =	sst s2  }
0x8f: {  	_ = 	snop  }
0x90: {  	(tm) =	ssettm $0x1  }
0x91: {  	s17 =	sld [smem:$0x3FFB];
	_ =	sdelay $0x3  }
0x92: {  	_ =	strace s17  }
0x93: {  	s2 =	sld [smem:$0x3FFC];
	_ =	sdelay $0x3  }
0x94: {  	_ =	strace s2  }
0x95: {  	s2 =	sld [smem:$0x3FFD];
	_ =	sdelay $0x3  }
0x96: {  	_ =	strace s2  }
0x97: {  	_ =	strace $0x8FFFFFFF  }
0x98: {  	s18 =	sld [smem:$0x3FDB];
	_ =	sdelay $0x1  }
0x99: {  	s19 =	simm.s32 $_scs_section_size  }
0x9a: {  	s4 =	simm.s32 $_size__tile_overlayer_lowered;
	s5 =	simm.s32 $_tile_overlayer_lowered  }
0x9b: {  	s22 =	simm.s32 $0x1BFF;
	s21 =	sshll.u32 s5, $0x1;
	s2 =	sadd.s32 s19, s18  }
0x9c: {  	s6 =	simm.s32 $0x0;
	s20 =	sshll.u32 s4, $0x1;
	s4 =	sadd.s32 s21, s2  }
0x9d: {  	[timem:s6], [sflag:s22] =	dma.local [hbm:s4], s20  }
0x9e: {  	_ =	swait.ge [sflag:s22], s20  }
0x9f: {  	s3 =	ssub.s32 $0x0, s20;
	[sflag:s22] =	ssyncset.done $0x0  }
0xa0: {  	[sflag:s22] =	ssyncadd.s32 s3;
	_ =	sdelay $0x1  }
0xa1: {  	s23 =	simm.s32 $0x1B8B  }
0xa2: {  	_ =	swait.ge [sflag:s23], $0x1  }
0xa3: {  	[sflag:s23] =	ssyncset.done $0x0  }
0xa4: {  	s25 =	simm.s32 $0x1B8E;
	s24 =	sld [smem:$0x3FFE];
	[sflag:s23] =	ssyncadd.s32 $0xFFFFFFFF  }
0xa5: {  	s26 =	simm.s32 $execute0_lowered;
	[smem:$0x3FD2] =	sst s25  }
0xa6: {  	s4 =	sshll.u32 s26, $0x1;
	_ =	strace $0x80000046;
	[dreg:$0x1] =	wrdreg $0xFFFFFFFF  }
0xa7: {  	s28 =	simm.s32 $_size_execute0_lowered;
	s2 =	sadd.s32 s2, s4;
	[dreg:$0x0] =	wrdreg $0x0  }
0xa8: {  	s4 =	sshll.u32 s28, $0x1;
	[dreg:$0x2] =	wrdreg s2  }
0xa9: {  	[dreg:$0x3] =	wrdreg s4  }
0xaa: {  	[dreg:$0x4] =	wrdreg $0xC0  }
0xab: {  	_ =	task [dreg:s6], $0x5FFFF  }
0xac: {  	[dreg:$0x1] =	wrdreg $0xFFFFFFFF  }
0xad: {  	[dreg:$0x0] =	wrdreg $0x60  }
0xae: {  	[dreg:$0x2] =	wrdreg s24  }
0xaf: {  	[dreg:$0x3] =	wrdreg $0x0  }
0xb0: {  	[dreg:$0x4] =	wrdreg $0x9  }
0xb1: {  	_ =	task.clear_ibuf [dreg:s6], $0x5FFFF;
	_ =	strace $0x90000046  }
0xb2: {  	s29 =	simm.s32 $0x9;
	_ =	strace $0x80000048  }
0xb3: {  	_ =	swait.ge [sflag:s29], $0x1  }
0xb4: {  	[sflag:s29] =	ssyncadd.s32 $0xFFFFFFFF  }
0xb5: {  	_ =	strace $0x90000048  }
0xb6: {  	_ =	sfence  }
0xb7: {  	s30 =	sld [smem:$0x0];
	_ =	sdelay $0x2  }
0xb8: {  	s31 =	sshll.u32 s1, $0xD;
	s1 =	sshrl.u32 s1, $0x2  }
0xb9: {  	s3 =	sand.u32 $0x4000, s31;
	s1 =	sadd.s32 s1, s30  }
0xba: {  	s0 =	sor.u32 s3, s0;
	s1 =	sshll.u32 s1, $0x11  }
0xbb: {  	s0 =	sor.u32 s1, s0  }
0xbc: {  	s0 =	sadd.s32 $0x8F2B, s0  }
0xbd: {  	[sflag:s0] =	ssyncadd.remote.s32 $0x1  }
0xbe: {  	_ =	sfence.sel $0xFFFF  }
0xbf: {  	[dreg:$0x0] =	wrdreg $0xFFFFFFFF;
	(pc) =	sbr.abs _section_cstart, $3  }
0xc0: {  	[dreg:$0x1] =	wrdreg $0xFFFFFFFF  }
0xc1: {  	_ =	task.clear_ibuf [dreg:s6], $0x2FFFF;
	_ =	strace $0x9FFFFFFF  }
0xc2: {  	(tm) =	ssettm $0x7FFFFFFF  }
0xc3: {  	_ =	shalt  }
tec
execute0_lowered:
.L_overlay_start_1:
0x0: {  	(tag) =	ssettag $0x1  }
0x1: {  	s7 =	rddreg [dreg:$0x0]  }
0x2: {  	s0 =	srdreg.scid;
	s2 =	rddreg [dreg:$0x1]  }
0x3: {  	s1 =	rddreg [dreg:$0x2];
	s5 =	sand.u32 $0x1, s0  }
0x4: {  	s3 =	simm.s32 $0x0;
	s0 =	stileid.u32;
	s4 =	smul.u32 $0x27100, s5  }
0x5: {  	s17 =	simm.s32 $0x50;
	s18 =	simm.s32 $0x0;
	s6 =	smul.u32 $0x2710, s0  }
0x6: {  	[smem:$0x7FF] =	sst s3;
	s13 =	sadd.s32 $0x41A00, s7;
	s8 =	smul.u32 $0x13800, s0  }
0x7: {  	s16 =	sadd.s32 $0x138000, s2;
	_ =	strace $0x80000047;
	s12 =	smul.u32 $0x4E000, s0  }
0x8: {  	s28 =	ssub.s32 $0x2, s5;
	s30 =	sshll.u32 s0, $0x6;
	s14 =	smul.u32 $0x138800, s5  }
0x9: {  	p0 =	sne.s32 s0, $0xF;
	s10 =	sshrl.u32 s28, $0x1;
	s4 =	sadd.s32 s6, s4  }
0xa: {  	s26 =	sshrl.u32 s8, $0x3;
	s10 =	ssub.s32 s28, s10;
	s29 =	sshrl.u32 s12, $0x2  }
0xb: {  	s6 =	sor.u32 $0x1C01, s30;
	s8 =	sadd.s32 s8, s14;
	s31 =	sshrl.u32 s14, $0x3  }
0xc: {  	s14 =	sshrl.u32 @!p0 s16, $0x3;
	s16 =	simm.s32 $0x13880;
	s4 =	sshrl.u32 s4, $0x3  }
0xd: {  	s9 =	sadd.s32 s26, s7;
	s15 =	sadd.s32 s29, s2;
	s8 =	sshrl.u32 s8, $0x3  }
0xe: {  	s10 =	smax.u32 s10, $0x1;
	s11 =	sadd.s32 s4, s7;
	s4 =	sadd.s32 $0x41400, s7  }
0xf: {  	s5 =	sadd.s32 $0x1A200, s9;
	s7 =	sadd.s32 $0x41200, s7;
	s9 =	sadd.s32 s13, s31  }
0x10: {  	s8 =	sadd.s32 s13, s8;
	s12 =	sshrl.u32 s15, $0x3;
	s13 =	simm.s32 $0x1  }
0x11: {  	s15 =	simm.s32 $0x13900;
	s9 =	sadd.s32 $0x27000, s9;
	s11 =	sadd.s32 $0x10400, s11  }
.LBB2_1:
0x12: {  	[spmem:s12], [sflag:s6] =	dma.local [hbm:s5], $0x2700  }
0x13: {  	_ =	swait.ge [sflag:s13], $0x2700  }
0x14: {  	[sflag:s13] =	ssyncset.done $0x0  }
0x15: {  	s19 =	simm.s32 @!p0 $0x1;
	[sflag:s13] =	ssyncadd.s32 $0xFFFFD900  }
0x16: {  	[spmem:s14], [sflag:s6] =	dma.local @!p0 [hbm:s7], $0x100  }
0x17: {  	_ =	swait.ge @!p0 [sflag:s19], $0x100  }
0x18: {  	[sflag:s19] =	ssyncset.done @!p0 $0x0  }
0x19: {  	[sflag:s19] =	ssyncadd.s32 @!p0 $0xFFFFFF00  }
0x1a: {  	[tilespmem:s15], [sflag:$0x1] =	stream.linear.gather [hbm4b:s4+s3], $0x2800, $0x38;
	[tilespmem:$0x16100] =	vst v63  }
0x1b: {  	_ =	swait.ge [sflag:s13], $0x2800  }
0x1c: {  	[sflag:s13] =	ssyncset.done $0x0  }
0x1d: {  	[sflag:s13] =	ssyncadd.s32 $0xFFFFD800  }
0x1e: {  	s31 =	sadd.s32 $0x0, s11;
	[bflag:$0x0] =	sbarrier.arrive $0xFFFF  }
0x1f: {  	[tilespmem:s16], [sflag:$0x1] =	stream.linear.gather [hbm4b:s31+s3], $0x50, $0x38;
	[tilespmem:$0x16100] =	vst v63  }
0x20: {  	_ =	swait.ge [sflag:s13], $0x50  }
0x21: {  	[sflag:s13] =	ssyncset.done $0x0  }
0x22: {  	[sflag:s13] =	ssyncadd.s32 $0xFFFFFFB0  }
0x23: {  	[spmem:s2] =	stream.indirect.scatter.add.f32 [tilespmem:s15], [sflag:$0x1], $0x80, s16, s17, $0xb8;
	[tilespmem:$0x16100] =	vst v63  }
0x24: {  	_ =	swait.ge [sflag:s13], $0x2800  }
0x25: {  	s20 =	simm.s32 $0x14;
	s19 =	simm.s32 $0xA;
	[sflag:s13] =	ssyncset.done $0x0  }
.LBB2_2:
0x26: {  	s21 =	sadd.s32 s19, s11  }
0x27: {  	[sflag:s13] =	ssyncadd.s32 $0xFFFFD800;
	s19 =	smov.u32 s20;
	s22 =	sadd.s32 $0xA, s20  }
0x28: {  	[tilespmem:s16], [sflag:$0x1] =	stream.linear.gather [hbm4b:s21+s3], $0x50, $0x38;
	[tilespmem:$0x16100] =	vst v63  }
0x29: {  	p1 =	sne.s32 s20, $0x4D8;
	_ =	swait.ge [sflag:s13], $0x50  }
.Ltmp0:
0x2a: {  	[sflag:s13] =	ssyncset.done $0x0;
	(pc) =	sbr.rel @p1 .LBB2_2-.Ltmp0, $4  }
0x2b: {  	[sflag:s13] =	ssyncadd.s32 $0xFFFFFFB0  }
0x2c: {  	[spmem:s2] =	stream.indirect.scatter.add.f32 [tilespmem:s15], [sflag:$0x1], $0x80, s16, s17, $0xb8;
	[tilespmem:$0x16100] =	vst v63  }
0x2d: {  	_ =	swait.ge [sflag:s13], $0x2800  }
0x2e: {  	s20 =	smov.u32 s22;
	[sflag:s13] =	ssyncset.done $0x0  }
0x2f: {  	s19 =	sadd.s32 s19, s11;
	[sflag:s13] =	ssyncadd.s32 $0xFFFFD800  }
0x30: {  	[tilespmem:s16], [sflag:$0x1] =	stream.linear.gather [hbm4b:s19+s3], $0x50, $0x38;
	[tilespmem:$0x16100] =	vst v63  }
0x31: {  	_ =	swait.ge [sflag:s13], $0x50  }
0x32: {  	[sflag:s13] =	ssyncset.done $0x0  }
0x33: {  	[sflag:s13] =	ssyncadd.s32 $0xFFFFFFB0  }
0x34: {  	[spmem:s2] =	stream.indirect.scatter.add.f32 [tilespmem:s15], [sflag:$0x1], $0x80, s16, s17, $0xb8;
	[tilespmem:$0x16100] =	vst v63  }
0x35: {  	_ =	swait.ge [sflag:s13], $0x2800  }
0x36: {  	[sflag:s13] =	ssyncset.done $0x0  }
0x37: {  	[sflag:s13] =	ssyncadd.s32 $0xFFFFD800  }
0x38: {  	[bflag:$0x0] =	sbarrier.arrive $0xFFFF  }
0x39: {  	[hbm:s8], [sflag:s6] =	dma.local [spmem:s12], $0x2700  }
0x3a: {  	s18 =	sadd.s32 $0x1, s18;
	_ =	swait.ge [sflag:s13], $0x2700  }
0x3b: {  	p1 =	sne.s32 s18, s10;
	[sflag:s13] =	ssyncset.done $0x0  }
.Ltmp1:
0x3c: {  	s19 =	simm.s32 @!p0 $0x1;
	[sflag:s13] =	ssyncadd.s32 $0xFFFFD900;
	(pc) =	sbr.rel @p1 .LBB2_1-.Ltmp1, $4  }
0x3d: {  	[hbm:s9], [sflag:s6] =	dma.local @!p0 [spmem:s14], $0x100  }
0x3e: {  	_ =	swait.ge @!p0 [sflag:s19], $0x100  }
0x3f: {  	[sflag:s19] =	ssyncset.done @!p0 $0x0  }
0x40: {  	[sflag:s19] =	ssyncadd.s32 @!p0 $0xFFFFFF00  }
0x41: {  	_ =	sfence.sel $0x180000  }
0x42: {  	[bflag:$0x0] =	sbarrier.arrive $0xFFFF  }
0x43: {  	p0 =	sne.s32 s0, $0x0;
	_ =	strace $0x90000047  }
0x44: {  	s0 =	sadd.s32 @!p0 $0x100000, s1;
	[bflag:$0x2] =	sbarrier.arrive $0xFFFF  }
0x45: {  	[sflag:s0] =	ssyncadd.tile.s32 @!p0 $0x1;
	_ =	shalt  }
.Lfunc_end2:
_tile_overlayer_lowered:
.L_overlay_start_2:
0x46: {  	(tag) =	ssettag $0x2  }
0x47: {  	s0 =	rddreg [dreg:$0x0];
	s2 =	stileid.u32  }
0x48: {  	s1 =	rddreg [dreg:$0x1];
	p0 =	sne.s32 s2, $0x0  }
0x49: {  	s3 =	rddreg [dreg:$0x2];
	[bflag:$0x3] =	sbarrier.arrive $0xFFFF;
	s2 =	simm.s32 @!p0 $0x1C01  }
0x4a: {  	[timem:s3], [sflag:s2] =	dma.local @!p0 [hbm:s0], s1  }
0x4b: {  	s0 =	simm.s32 @!p0 $0x1  }
0x4c: {  	_ =	swait.ge @!p0 [sflag:s0], s1  }
0x4d: {  	s1 =	ssub.s32 @!p0 $0x0, s1;
	[sflag:s0] =	ssyncset.done @!p0 $0x0  }
0x4e: {  	[sflag:s0] =	ssyncadd.s32 @!p0 s1  }
0x4f: {  	[bflag:$0x3] =	sbarrier.arrive $0xFFFF  }
0x50: {  	_ =	shalt  }

</sc_bundles>
